<compile_context>
chip_gen: v7x
topology: tpu7x:2x2x1
jax: 0.10.2.dev20260603
libtpu: 0.0.44.dev20260713+nightly
codegen_flags: <defaults>
</compile_context>

<pallas_src>
import dataclasses
import functools

import jax
import jax.numpy as jnp
from jax import lax
from jax.experimental import pallas as pl
from jax.experimental.pallas import tpu as pltpu
from jax.experimental.pallas import tpu_sc as plsc

N = 16384
D = 64
C = 100
C_PAD = 112
NC, NS = 2, 16
NW = NC * NS
ROWS_PER_W = N // NW
GROUPS = 4
GROUP = ROWS_PER_W // GROUPS
DELTA = 100.0


def _sc_segment_sums(emb4, lab2):
  mesh = plsc.VectorSubcoreMesh(
      core_axis_name="c", subcore_axis_name="s", num_cores=NC, num_subcores=NS
  )
  cp = pltpu.CompilerParams()
  if "needs_layout_passes" in pltpu.CompilerParams.__dataclass_fields__:
    cp = dataclasses.replace(cp, needs_layout_passes=False)

  @functools.partial(
      pl.kernel,
      out_type=jax.ShapeDtypeStruct((NW, C_PAD, D), jnp.float32),
      mesh=mesh,
      compiler_params=cp,
      scratch_types=[
          pltpu.VMEM((GROUPS, GROUP, D), jnp.float32),
          pltpu.VMEM((ROWS_PER_W,), jnp.int32),
          pltpu.VMEM((C_PAD, D), jnp.float32),
          pltpu.SemaphoreType.DMA,
      ],
  )
  def seg_kernel(emb_hbm, lab_hbm, out_sum, rows_v, lbl_v, acc_v, sem):
    cid = lax.axis_index("c")
    sid = lax.axis_index("s")
    wid = cid * NS + sid

    rows_cp = pltpu.async_copy(emb_hbm.at[wid], rows_v, sem)
    pltpu.sync_copy(lab_hbm.at[wid], lbl_v)

    zero16 = jnp.zeros((16,), jnp.float32)

    @pl.loop(0, C_PAD)
    def _(r):
      @pl.loop(0, D // 16)
      def _(j):
        acc_v[r, pl.ds(j * 16, 16)] = zero16

    rows_cp.wait()

    col_iota = lax.iota(jnp.int32, 16)
    for g in range(GROUPS):

      @pl.loop(0, GROUP, unroll=2)
      def _(r, g=g):
        lbl = plsc.load_gather(lbl_v, [jnp.full((16,), g * GROUP, jnp.int32) + r])
        for j in range(D // 16):
          v = rows_v[g, r, pl.ds(j * 16, 16)]
          plsc.addupdate_scatter(acc_v, [lbl, col_iota + (j * 16)], v)

    pltpu.sync_copy(acc_v, out_sum.at[wid])

  return seg_kernel(emb4, lab2)


def _tc_sumsq(emb):
  blocks = 8

  def body(x_ref, o_ref):
    @pl.when(pl.program_id(0) == 0)
    def _():
      o_ref[0, 0] = 0.0

    x = x_ref[...]
    o_ref[0, 0] += jnp.sum(x * x)

  return pl.pallas_call(
      body,
      grid=(blocks,),
      in_specs=[pl.BlockSpec((N // blocks, D), lambda i: (i, 0))],
      out_specs=pl.BlockSpec(memory_space=pltpu.SMEM),
      out_shape=jax.ShapeDtypeStruct((1, 1), jnp.float32),
  )(emb)


def _tc_counts(lab2):

  def body(l_ref, o_ref):
    labs = l_ref[...]
    classes = lax.broadcasted_iota(jnp.int32, (C_PAD, 1, 1), 0)
    eq = (labs[None, :, :] == classes).astype(jnp.float32)
    o_ref[...] = jnp.sum(eq, axis=2)

  return pl.pallas_call(
      body,
      out_shape=jax.ShapeDtypeStruct((C_PAD, 128), jnp.float32),
  )(lab2)


def _tc_finish(psum, pcnt, ssq, nc_arr):

  def body(ps_ref, pc_ref, ssq_ref, nc_ref, o_ref):
    sums = ps_ref[0]
    for w in range(1, NW):
      sums = sums + ps_ref[w]
    cnt = jnp.sum(pc_ref[...], axis=1, keepdims=True)
    safe = jnp.maximum(cnt, 1.0)
    mean = sums / safe
    wnorm = jnp.sum(sums * sums, axis=1, keepdims=True) / safe
    intra = ssq_ref[0, 0] - jnp.sum(wnorm)
    pm = mean[:, None, :] - mean[None, :, :]
    d2 = jnp.sum(pm * pm, axis=-1)
    ii = lax.broadcasted_iota(jnp.int32, (C_PAD, 1), 0)
    nonempty = (cnt > 0.0) & (ii < nc_ref[0, 0])
    ri = lax.broadcasted_iota(jnp.int32, (C_PAD, C_PAD), 0)
    ci = lax.broadcasted_iota(jnp.int32, (C_PAD, C_PAD), 1)
    pair_mask = nonempty & nonempty.reshape(1, C_PAD) & (ri != ci)
    inter = jnp.min(jnp.where(pair_mask, d2, jnp.inf))
    loss = intra / N - jnp.minimum(DELTA, inter)
    o_ref[0, 0] = loss

  return pl.pallas_call(
      body,
      in_specs=[
          pl.BlockSpec(memory_space=pltpu.VMEM),
          pl.BlockSpec(memory_space=pltpu.VMEM),
          pl.BlockSpec(memory_space=pltpu.SMEM),
          pl.BlockSpec(memory_space=pltpu.SMEM),
      ],
      out_specs=pl.BlockSpec(memory_space=pltpu.SMEM),
      out_shape=jax.ShapeDtypeStruct((1, 1), jnp.float32),
  )(psum, pcnt, ssq, nc_arr)


def kernel(embeddings, labels, num_classes):
  emb = embeddings.astype(jnp.float32)
  lab = labels.astype(jnp.int32)
  emb4 = emb.reshape(NW, GROUPS, GROUP, D)
  lab2 = lab.reshape(NW, ROWS_PER_W)
  psum = _sc_segment_sums(emb4, lab2)
  ssq = _tc_sumsq(emb)
  pcnt = _tc_counts(lab.reshape(128, 128))
  nc_arr = jnp.asarray(num_classes, jnp.int32).reshape(1, 1)
  loss = _tc_finish(psum, pcnt, ssq, nc_arr)
  return loss.reshape(1)

# --- scband reference (transcript-rebuilt; emitter-appended) ---
"""Pipeline reference for scband-iiloss-1906965479790 (READ-ONLY COPY).

The authoritative reference and input builder live on the scoring server;
editing this copy changes nothing except your own understanding.
"""

import jax, jax.numpy as jnp
import numpy as np


def setup_inputs(seed: int = 0) -> dict:
    key = jax.random.key(seed)
    k1, k2 = jax.random.split(key)
    N, D, C = 16384, 64, 100
    embeddings = jax.random.normal(k1, (N, D), dtype=jnp.float32)
    labels = jax.random.randint(k2, (N,), 0, C)
    return {"embeddings": embeddings, "labels": labels, "num_classes": C}


def reference(embeddings, labels, num_classes):
    delta = jnp.float32(100.0)
    N = embeddings.shape[0]
    C = 100
    # bucket_mean: per-class sum / count (segment ops -> SparseCore scatter-add)
    class_sum = jax.ops.segment_sum(embeddings, labels, num_segments=C)
    counts = jax.ops.segment_sum(jnp.ones((N,), dtype=embeddings.dtype), labels, num_segments=C)
    safe_counts = jnp.maximum(counts, 1.0)
    class_mean = class_sum / safe_counts[:, None]
    # intra_spread: sum over all points of ||x_i - mean[label_i]||^2 (gather)
    diff = embeddings - jnp.take(class_mean, labels, axis=0)
    intra_spread = jnp.sum(diff * diff)
    # inter_separation: min squared distance between means of non-empty classes
    nonempty = (counts > 0) & (jnp.arange(C) < num_classes)
    pm = class_mean[:, None, :] - class_mean[None, :, :]
    d2 = jnp.sum(pm * pm, axis=-1)
    pair_mask = nonempty[:, None] & nonempty[None, :] & (~jnp.eye(C, dtype=bool))
    inter_separation = jnp.min(jnp.where(pair_mask, d2, jnp.inf))
    loss = intra_spread / N - jnp.minimum(delta, inter_separation)
    return loss.reshape(1)

if __name__ == "__main__":
    import jax
    _d = setup_inputs()
    print(jax.jit(kernel)(*tuple(_d.values())))

</pallas_src>

<mosaic_0001>
#map = affine_map<(d0, d1) -> (0, 0, 0, 0)>
#map1 = affine_map<(d0, d1) -> (0, 0)>
#map2 = affine_map<(d0, d1) -> (0, 0, 0)>
module attributes {stable_mosaic.version = 14 : i64} {
  func.func @seg_kernel(%arg0: i32, %arg1: i32, %arg2: memref<32x4x128x64xf32, #tpu.memory_space<hbm>>, %arg3: memref<32x512xi32, #tpu.memory_space<hbm>>, %arg4: memref<32x112x64xf32, #tpu.memory_space<hbm>>, %arg5: memref<4x128x64xf32, #tpu.memory_space<vmem>>, %arg6: memref<512xi32, #tpu.memory_space<vmem>>, %arg7: memref<112x64xf32, #tpu.memory_space<vmem>>, %arg8: memref<!tpu.dma_semaphore, #tpu.memory_space<semaphore_mem>>) attributes {dimension_semantics = [#tpu.dimension_semantics<core_parallel>, #tpu.dimension_semantics<subcore_parallel>], iteration_bounds = array<i64: 2, 16>, scalar_prefetch = 0 : i64, scratch_operands = 4 : i64, tpu.core_type = #tpu.core_type<sc_vector_subcore>, window_params = [{transform_indices = #map}, {transform_indices = #map1}, {transform_indices = #map2}]} {
    %mul3A = arith.constant 16 : i32
    %mul3A_0 = arith.muli %arg0, %mul3A : i32
    %add3A = arith.addi %mul3A_0, %arg1 : i32
    %dma_start3A = arith.constant 0 : i32
    %dma_start3A_1 = arith.constant 0 : i32
    %dma_start3A_2 = arith.constant 0 : i32
    %dma_start3A_3 = tpu.memref_slice %arg2[%add3A, %dma_start3A, %dma_start3A_1, %dma_start3A_2] : memref<32x4x128x64xf32, #tpu.memory_space<hbm>> -> memref<1x4x128x64xf32, #tpu.memory_space<hbm>>
    %dma_start3A_4 = tpu.memref_squeeze %dma_start3A_3 : memref<1x4x128x64xf32, #tpu.memory_space<hbm>> -> memref<4x128x64xf32, #tpu.memory_space<hbm>>
    %dma_start3A_5 = arith.constant 0 : i32
    %dma_start3A_6 = arith.constant 0 : i32
    %dma_start3A_7 = arith.constant 0 : i32
    %dma_start3A_8 = tpu.memref_slice %arg2[%add3A, %dma_start3A_5, %dma_start3A_6, %dma_start3A_7] : memref<32x4x128x64xf32, #tpu.memory_space<hbm>> -> memref<1x4x128x64xf32, #tpu.memory_space<hbm>>
    %dma_start3A_9 = tpu.memref_squeeze %dma_start3A_8 : memref<1x4x128x64xf32, #tpu.memory_space<hbm>> -> memref<4x128x64xf32, #tpu.memory_space<hbm>>
    tpu.enqueue_dma source(%dma_start3A_9 : memref<4x128x64xf32, #tpu.memory_space<hbm>>) target(%arg5 : memref<4x128x64xf32, #tpu.memory_space<vmem>>) target_semaphore(%arg8 : memref<!tpu.dma_semaphore, #tpu.memory_space<semaphore_mem>>)
    "tpu.region"() ({
      %run_scoped3A = tpu.sem_alloc : memref<!tpu.dma_semaphore, #tpu.memory_space<semaphore_mem>>
      %dma_start3A_44 = arith.constant 0 : i32
      %dma_start3A_45 = tpu.memref_slice %arg3[%add3A, %dma_start3A_44] : memref<32x512xi32, #tpu.memory_space<hbm>> -> memref<1x512xi32, #tpu.memory_space<hbm>>
      %dma_start3A_46 = tpu.memref_squeeze %dma_start3A_45 : memref<1x512xi32, #tpu.memory_space<hbm>> -> memref<512xi32, #tpu.memory_space<hbm>>
      %dma_start3A_47 = arith.constant 0 : i32
      %dma_start3A_48 = tpu.memref_slice %arg3[%add3A, %dma_start3A_47] : memref<32x512xi32, #tpu.memory_space<hbm>> -> memref<1x512xi32, #tpu.memory_space<hbm>>
      %dma_start3A_49 = tpu.memref_squeeze %dma_start3A_48 : memref<1x512xi32, #tpu.memory_space<hbm>> -> memref<512xi32, #tpu.memory_space<hbm>>
      tpu.enqueue_dma source(%dma_start3A_49 : memref<512xi32, #tpu.memory_space<hbm>>) target(%arg6 : memref<512xi32, #tpu.memory_space<vmem>>) target_semaphore(%run_scoped3A : memref<!tpu.dma_semaphore, #tpu.memory_space<semaphore_mem>>)
      %dma_wait3A_50 = arith.constant 0 : i32
      %dma_wait3A_51 = tpu.memref_slice %arg3[%add3A, %dma_wait3A_50] : memref<32x512xi32, #tpu.memory_space<hbm>> -> memref<1x512xi32, #tpu.memory_space<hbm>>
      %dma_wait3A_52 = tpu.memref_squeeze %dma_wait3A_51 : memref<1x512xi32, #tpu.memory_space<hbm>> -> memref<512xi32, #tpu.memory_space<hbm>>
      %dma_wait3A_53 = arith.constant 0 : i32
      %dma_wait3A_54 = tpu.memref_slice %arg3[%add3A, %dma_wait3A_53] : memref<32x512xi32, #tpu.memory_space<hbm>> -> memref<1x512xi32, #tpu.memory_space<hbm>>
      %dma_wait3A_55 = tpu.memref_squeeze %dma_wait3A_54 : memref<1x512xi32, #tpu.memory_space<hbm>> -> memref<512xi32, #tpu.memory_space<hbm>>
      tpu.wait_dma2 semaphore(%run_scoped3A : memref<!tpu.dma_semaphore, #tpu.memory_space<semaphore_mem>>) src(%dma_wait3A_55 : memref<512xi32, #tpu.memory_space<hbm>>) dst(%arg6 : memref<512xi32, #tpu.memory_space<vmem>>)
      tpu.yield
    }) : () -> ()
    %broadcast_in_dim3A = arith.constant 0.000000e+00 : f32
    %broadcast_in_dim3A_10 = vector.broadcast %broadcast_in_dim3A : f32 to vector<16xf32>
    %scan3A = arith.constant 0 : i32
    %scan3A_11 = arith.constant 112 : i32
    %scan3A_12 = arith.addi %scan3A, %scan3A_11 : i32
    %scan3A_13 = arith.constant 1 : i32
    scf.for %scan3A_44 = %scan3A to %scan3A_12 step %scan3A_13  : i32 {
      %mul3A_45 = arith.constant 1 : i32
      %mul3A_46 = arith.muli %scan3A_44, %mul3A_45 : i32
      %add3A_47 = arith.constant 0 : i32
      %add3A_48 = arith.addi %add3A_47, %mul3A_46 : i32
      %scan3A_49 = arith.constant 0 : i32
      %scan3A_50 = arith.constant 4 : i32
      %scan3A_51 = arith.addi %scan3A_49, %scan3A_50 : i32
      %scan3A_52 = arith.constant 1 : i32
      scf.for %scan3A_54 = %scan3A_49 to %scan3A_51 step %scan3A_52  : i32 {
        %mul3A_55 = arith.constant 1 : i32
        %mul3A_56 = arith.muli %scan3A_54, %mul3A_55 : i32
        %add3A_57 = arith.constant 0 : i32
        %add3A_58 = arith.addi %add3A_57, %mul3A_56 : i32
        %mul3A_59 = arith.constant 16 : i32
        %mul3A_60 = arith.muli %add3A_58, %mul3A_59 : i32
        %swap3A = arith.index_cast %add3A_48 : i32 to index
        %swap3A_61 = arith.index_cast %mul3A_60 : i32 to index
        %swap3A_62 = tpu.vector_load %arg7[%swap3A, %swap3A_61] {strides = array<i32>} : memref<112x64xf32, #tpu.memory_space<vmem>>, vector<16xf32>,
        tpu.vector_store %arg7[%swap3A, %swap3A_61], %broadcast_in_dim3A_10 {strides = array<i32>} : memref<112x64xf32, #tpu.memory_space<vmem>>, vector<16xf32>,
      }
      %scan3A_53 = arith.constant 4 : i32
    }
    %scan3A_14 = arith.constant 112 : i32
    %dma_wait3A = arith.constant 0 : i32
    %dma_wait3A_15 = arith.constant 0 : i32
    %dma_wait3A_16 = arith.constant 0 : i32
    %dma_wait3A_17 = tpu.memref_slice %arg2[%add3A, %dma_wait3A, %dma_wait3A_15, %dma_wait3A_16] : memref<32x4x128x64xf32, #tpu.memory_space<hbm>> -> memref<1x4x128x64xf32, #tpu.memory_space<hbm>>
    %dma_wait3A_18 = tpu.memref_squeeze %dma_wait3A_17 : memref<1x4x128x64xf32, #tpu.memory_space<hbm>> -> memref<4x128x64xf32, #tpu.memory_space<hbm>>
    %dma_wait3A_19 = arith.constant 0 : i32
    %dma_wait3A_20 = arith.constant 0 : i32
    %dma_wait3A_21 = arith.constant 0 : i32
    %dma_wait3A_22 = tpu.memref_slice %arg2[%add3A, %dma_wait3A_19, %dma_wait3A_20, %dma_wait3A_21] : memref<32x4x128x64xf32, #tpu.memory_space<hbm>> -> memref<1x4x128x64xf32, #tpu.memory_space<hbm>>
    %dma_wait3A_23 = tpu.memref_squeeze %dma_wait3A_22 : memref<1x4x128x64xf32, #tpu.memory_space<hbm>> -> memref<4x128x64xf32, #tpu.memory_space<hbm>>
    tpu.wait_dma2 semaphore(%arg8 : memref<!tpu.dma_semaphore, #tpu.memory_space<semaphore_mem>>) src(%dma_wait3A_23 : memref<4x128x64xf32, #tpu.memory_space<hbm>>) dst(%arg5 : memref<4x128x64xf32, #tpu.memory_space<vmem>>)
    %iota3A = tpu.iota {dimensions = array<i32: 0>} : vector<16xi32>
    %scan3A_24 = arith.constant 0 : i32
    %scan3A_25 = arith.constant 128 : i32
    %scan3A_26 = arith.addi %scan3A_24, %scan3A_25 : i32
    %scan3A_27 = arith.constant 2 : i32
    scf.for %scan3A_44 = %scan3A_24 to %scan3A_26 step %scan3A_27  : i32 {
      %mul3A_45 = arith.constant 1 : i32
      %mul3A_46 = arith.muli %scan3A_44, %mul3A_45 : i32
      %add3A_47 = arith.constant 0 : i32
      %add3A_48 = arith.addi %add3A_47, %mul3A_46 : i32
      %broadcast_in_dim3A_49 = arith.constant 0 : i32
      %broadcast_in_dim3A_50 = vector.broadcast %broadcast_in_dim3A_49 : i32 to vector<16xi32>
      %add3A_51 = vector.broadcast %add3A_48 : i32 to vector<16xi32>
      %add3A_52 = arith.addi %broadcast_in_dim3A_50, %add3A_51 : vector<16xi32>
      %gather3A = tpu.vector_load_idx %arg6[%add3A_52] : memref<512xi32, #tpu.memory_space<vmem>>[vector<16xi32>], vector<16xi32>,
      %get3A = arith.constant 0 : i32
      %get3A_53 = arith.index_cast %get3A : i32 to index
      %get3A_54 = arith.index_cast %add3A_48 : i32 to index
      %get3A_55 = arith.constant 0 : index
      %get3A_56 = tpu.vector_load %arg5[%get3A_53, %get3A_54, %get3A_55] {strides = array<i32>} : memref<4x128x64xf32, #tpu.memory_space<vmem>>, vector<16xf32>,
      %add3A_57 = arith.constant 0 : i32
      %add3A_58 = vector.broadcast %add3A_57 : i32 to vector<16xi32>
      %add3A_59 = arith.addi %iota3A, %add3A_58 : vector<16xi32>
      tpu.vector_store_idx %arg7[%gather3A, %add3A_59], %get3A_56 {add = true} : memref<112x64xf32, #tpu.memory_space<vmem>>[vector<16xi32>, vector<16xi32>], vector<16xf32>,
      %get3A_60 = arith.constant 0 : i32
      %get3A_61 = arith.index_cast %get3A_60 : i32 to index
      %get3A_62 = arith.index_cast %add3A_48 : i32 to index
      %get3A_63 = arith.constant 16 : index
      %get3A_64 = tpu.vector_load %arg5[%get3A_61, %get3A_62, %get3A_63] {strides = array<i32>} : memref<4x128x64xf32, #tpu.memory_space<vmem>>, vector<16xf32>,
      %add3A_65 = arith.constant 16 : i32
      %add3A_66 = vector.broadcast %add3A_65 : i32 to vector<16xi32>
      %add3A_67 = arith.addi %iota3A, %add3A_66 : vector<16xi32>
      tpu.vector_store_idx %arg7[%gather3A, %add3A_67], %get3A_64 {add = true} : memref<112x64xf32, #tpu.memory_space<vmem>>[vector<16xi32>, vector<16xi32>], vector<16xf32>,
      %get3A_68 = arith.constant 0 : i32
      %get3A_69 = arith.index_cast %get3A_68 : i32 to index
      %get3A_70 = arith.index_cast %add3A_48 : i32 to index
      %get3A_71 = arith.constant 32 : index
      %get3A_72 = tpu.vector_load %arg5[%get3A_69, %get3A_70, %get3A_71] {strides = array<i32>} : memref<4x128x64xf32, #tpu.memory_space<vmem>>, vector<16xf32>,
      %add3A_73 = arith.constant 32 : i32
      %add3A_74 = vector.broadcast %add3A_73 : i32 to vector<16xi32>
      %add3A_75 = arith.addi %iota3A, %add3A_74 : vector<16xi32>
      tpu.vector_store_idx %arg7[%gather3A, %add3A_75], %get3A_72 {add = true} : memref<112x64xf32, #tpu.memory_space<vmem>>[vector<16xi32>, vector<16xi32>], vector<16xf32>,
      %get3A_76 = arith.constant 0 : i32
      %get3A_77 = arith.index_cast %get3A_76 : i32 to index
      %get3A_78 = arith.index_cast %add3A_48 : i32 to index
      %get3A_79 = arith.constant 48 : index
      %get3A_80 = tpu.vector_load %arg5[%get3A_77, %get3A_78, %get3A_79] {strides = array<i32>} : memref<4x128x64xf32, #tpu.memory_space<vmem>>, vector<16xf32>,
      %add3A_81 = arith.constant 48 : i32
      %add3A_82 = vector.broadcast %add3A_81 : i32 to vector<16xi32>
      %add3A_83 = arith.addi %iota3A, %add3A_82 : vector<16xi32>
      tpu.vector_store_idx %arg7[%gather3A, %add3A_83], %get3A_80 {add = true} : memref<112x64xf32, #tpu.memory_space<vmem>>[vector<16xi32>, vector<16xi32>], vector<16xf32>,
      %scan3A_84 = arith.constant 1 : i32
      %scan3A_85 = arith.addi %scan3A_44, %scan3A_84 : i32
      %mul3A_86 = arith.constant 1 : i32
      %mul3A_87 = arith.muli %scan3A_85, %mul3A_86 : i32
      %add3A_88 = arith.constant 0 : i32
      %add3A_89 = arith.addi %add3A_88, %mul3A_87 : i32
      %broadcast_in_dim3A_90 = arith.constant 0 : i32
      %broadcast_in_dim3A_91 = vector.broadcast %broadcast_in_dim3A_90 : i32 to vector<16xi32>
      %add3A_92 = vector.broadcast %add3A_89 : i32 to vector<16xi32>
      %add3A_93 = arith.addi %broadcast_in_dim3A_91, %add3A_92 : vector<16xi32>
      %gather3A_94 = tpu.vector_load_idx %arg6[%add3A_93] : memref<512xi32, #tpu.memory_space<vmem>>[vector<16xi32>], vector<16xi32>,
      %get3A_95 = arith.constant 0 : i32
      %get3A_96 = arith.index_cast %get3A_95 : i32 to index
      %get3A_97 = arith.index_cast %add3A_89 : i32 to index
      %get3A_98 = arith.constant 0 : index
      %get3A_99 = tpu.vector_load %arg5[%get3A_96, %get3A_97, %get3A_98] {strides = array<i32>} : memref<4x128x64xf32, #tpu.memory_space<vmem>>, vector<16xf32>,
      %add3A_100 = arith.constant 0 : i32
      %add3A_101 = vector.broadcast %add3A_100 : i32 to vector<16xi32>
      %add3A_102 = arith.addi %iota3A, %add3A_101 : vector<16xi32>
      tpu.vector_store_idx %arg7[%gather3A_94, %add3A_102], %get3A_99 {add = true} : memref<112x64xf32, #tpu.memory_space<vmem>>[vector<16xi32>, vector<16xi32>], vector<16xf32>,
      %get3A_103 = arith.constant 0 : i32
      %get3A_104 = arith.index_cast %get3A_103 : i32 to index
      %get3A_105 = arith.index_cast %add3A_89 : i32 to index
      %get3A_106 = arith.constant 16 : index
      %get3A_107 = tpu.vector_load %arg5[%get3A_104, %get3A_105, %get3A_106] {strides = array<i32>} : memref<4x128x64xf32, #tpu.memory_space<vmem>>, vector<16xf32>,
      %add3A_108 = arith.constant 16 : i32
      %add3A_109 = vector.broadcast %add3A_108 : i32 to vector<16xi32>
      %add3A_110 = arith.addi %iota3A, %add3A_109 : vector<16xi32>
      tpu.vector_store_idx %arg7[%gather3A_94, %add3A_110], %get3A_107 {add = true} : memref<112x64xf32, #tpu.memory_space<vmem>>[vector<16xi32>, vector<16xi32>], vector<16xf32>,
      %get3A_111 = arith.constant 0 : i32
      %get3A_112 = arith.index_cast %get3A_111 : i32 to index
      %get3A_113 = arith.index_cast %add3A_89 : i32 to index
      %get3A_114 = arith.constant 32 : index
      %get3A_115 = tpu.vector_load %arg5[%get3A_112, %get3A_113, %get3A_114] {strides = array<i32>} : memref<4x128x64xf32, #tpu.memory_space<vmem>>, vector<16xf32>,
      %add3A_116 = arith.constant 32 : i32
      %add3A_117 = vector.broadcast %add3A_116 : i32 to vector<16xi32>
      %add3A_118 = arith.addi %iota3A, %add3A_117 : vector<16xi32>
      tpu.vector_store_idx %arg7[%gather3A_94, %add3A_118], %get3A_115 {add = true} : memref<112x64xf32, #tpu.memory_space<vmem>>[vector<16xi32>, vector<16xi32>], vector<16xf32>,
      %get3A_119 = arith.constant 0 : i32
      %get3A_120 = arith.index_cast %get3A_119 : i32 to index
      %get3A_121 = arith.index_cast %add3A_89 : i32 to index
      %get3A_122 = arith.constant 48 : index
      %get3A_123 = tpu.vector_load %arg5[%get3A_120, %get3A_121, %get3A_122] {strides = array<i32>} : memref<4x128x64xf32, #tpu.memory_space<vmem>>, vector<16xf32>,
      %add3A_124 = arith.constant 48 : i32
      %add3A_125 = vector.broadcast %add3A_124 : i32 to vector<16xi32>
      %add3A_126 = arith.addi %iota3A, %add3A_125 : vector<16xi32>
      tpu.vector_store_idx %arg7[%gather3A_94, %add3A_126], %get3A_123 {add = true} : memref<112x64xf32, #tpu.memory_space<vmem>>[vector<16xi32>, vector<16xi32>], vector<16xf32>,
    }
    %scan3A_28 = arith.constant 128 : i32
    %scan3A_29 = arith.constant 0 : i32
    %scan3A_30 = arith.constant 128 : i32
    %scan3A_31 = arith.addi %scan3A_29, %scan3A_30 : i32
    %scan3A_32 = arith.constant 2 : i32
    scf.for %scan3A_44 = %scan3A_29 to %scan3A_31 step %scan3A_32  : i32 {
      %mul3A_45 = arith.constant 1 : i32
      %mul3A_46 = arith.muli %scan3A_44, %mul3A_45 : i32
      %add3A_47 = arith.constant 0 : i32
      %add3A_48 = arith.addi %add3A_47, %mul3A_46 : i32
      %broadcast_in_dim3A_49 = arith.constant 128 : i32
      %broadcast_in_dim3A_50 = vector.broadcast %broadcast_in_dim3A_49 : i32 to vector<16xi32>
      %add3A_51 = vector.broadcast %add3A_48 : i32 to vector<16xi32>
      %add3A_52 = arith.addi %broadcast_in_dim3A_50, %add3A_51 : vector<16xi32>
      %gather3A = tpu.vector_load_idx %arg6[%add3A_52] : memref<512xi32, #tpu.memory_space<vmem>>[vector<16xi32>], vector<16xi32>,
      %get3A = arith.constant 1 : i32
      %get3A_53 = arith.index_cast %get3A : i32 to index
      %get3A_54 = arith.index_cast %add3A_48 : i32 to index
      %get3A_55 = arith.constant 0 : index
      %get3A_56 = tpu.vector_load %arg5[%get3A_53, %get3A_54, %get3A_55] {strides = array<i32>} : memref<4x128x64xf32, #tpu.memory_space<vmem>>, vector<16xf32>,
      %add3A_57 = arith.constant 0 : i32
      %add3A_58 = vector.broadcast %add3A_57 : i32 to vector<16xi32>
      %add3A_59 = arith.addi %iota3A, %add3A_58 : vector<16xi32>
      tpu.vector_store_idx %arg7[%gather3A, %add3A_59], %get3A_56 {add = true} : memref<112x64xf32, #tpu.memory_space<vmem>>[vector<16xi32>, vector<16xi32>], vector<16xf32>,
      %get3A_60 = arith.constant 1 : i32
      %get3A_61 = arith.index_cast %get3A_60 : i32 to index
      %get3A_62 = arith.index_cast %add3A_48 : i32 to index
      %get3A_63 = arith.constant 16 : index
      %get3A_64 = tpu.vector_load %arg5[%get3A_61, %get3A_62, %get3A_63] {strides = array<i32>} : memref<4x128x64xf32, #tpu.memory_space<vmem>>, vector<16xf32>,
      %add3A_65 = arith.constant 16 : i32
      %add3A_66 = vector.broadcast %add3A_65 : i32 to vector<16xi32>
      %add3A_67 = arith.addi %iota3A, %add3A_66 : vector<16xi32>
      tpu.vector_store_idx %arg7[%gather3A, %add3A_67], %get3A_64 {add = true} : memref<112x64xf32, #tpu.memory_space<vmem>>[vector<16xi32>, vector<16xi32>], vector<16xf32>,
      %get3A_68 = arith.constant 1 : i32
      %get3A_69 = arith.index_cast %get3A_68 : i32 to index
      %get3A_70 = arith.index_cast %add3A_48 : i32 to index
      %get3A_71 = arith.constant 32 : index
      %get3A_72 = tpu.vector_load %arg5[%get3A_69, %get3A_70, %get3A_71] {strides = array<i32>} : memref<4x128x64xf32, #tpu.memory_space<vmem>>, vector<16xf32>,
      %add3A_73 = arith.constant 32 : i32
      %add3A_74 = vector.broadcast %add3A_73 : i32 to vector<16xi32>
      %add3A_75 = arith.addi %iota3A, %add3A_74 : vector<16xi32>
      tpu.vector_store_idx %arg7[%gather3A, %add3A_75], %get3A_72 {add = true} : memref<112x64xf32, #tpu.memory_space<vmem>>[vector<16xi32>, vector<16xi32>], vector<16xf32>,
      %get3A_76 = arith.constant 1 : i32
      %get3A_77 = arith.index_cast %get3A_76 : i32 to index
      %get3A_78 = arith.index_cast %add3A_48 : i32 to index
      %get3A_79 = arith.constant 48 : index
      %get3A_80 = tpu.vector_load %arg5[%get3A_77, %get3A_78, %get3A_79] {strides = array<i32>} : memref<4x128x64xf32, #tpu.memory_space<vmem>>, vector<16xf32>,
      %add3A_81 = arith.constant 48 : i32
      %add3A_82 = vector.broadcast %add3A_81 : i32 to vector<16xi32>
      %add3A_83 = arith.addi %iota3A, %add3A_82 : vector<16xi32>
      tpu.vector_store_idx %arg7[%gather3A, %add3A_83], %get3A_80 {add = true} : memref<112x64xf32, #tpu.memory_space<vmem>>[vector<16xi32>, vector<16xi32>], vector<16xf32>,
      %scan3A_84 = arith.constant 1 : i32
      %scan3A_85 = arith.addi %scan3A_44, %scan3A_84 : i32
      %mul3A_86 = arith.constant 1 : i32
      %mul3A_87 = arith.muli %scan3A_85, %mul3A_86 : i32
      %add3A_88 = arith.constant 0 : i32
      %add3A_89 = arith.addi %add3A_88, %mul3A_87 : i32
      %broadcast_in_dim3A_90 = arith.constant 128 : i32
      %broadcast_in_dim3A_91 = vector.broadcast %broadcast_in_dim3A_90 : i32 to vector<16xi32>
      %add3A_92 = vector.broadcast %add3A_89 : i32 to vector<16xi32>
      %add3A_93 = arith.addi %broadcast_in_dim3A_91, %add3A_92 : vector<16xi32>
      %gather3A_94 = tpu.vector_load_idx %arg6[%add3A_93] : memref<512xi32, #tpu.memory_space<vmem>>[vector<16xi32>], vector<16xi32>,
      %get3A_95 = arith.constant 1 : i32
      %get3A_96 = arith.index_cast %get3A_95 : i32 to index
      %get3A_97 = arith.index_cast %add3A_89 : i32 to index
      %get3A_98 = arith.constant 0 : index
      %get3A_99 = tpu.vector_load %arg5[%get3A_96, %get3A_97, %get3A_98] {strides = array<i32>} : memref<4x128x64xf32, #tpu.memory_space<vmem>>, vector<16xf32>,
      %add3A_100 = arith.constant 0 : i32
      %add3A_101 = vector.broadcast %add3A_100 : i32 to vector<16xi32>
      %add3A_102 = arith.addi %iota3A, %add3A_101 : vector<16xi32>
      tpu.vector_store_idx %arg7[%gather3A_94, %add3A_102], %get3A_99 {add = true} : memref<112x64xf32, #tpu.memory_space<vmem>>[vector<16xi32>, vector<16xi32>], vector<16xf32>,
      %get3A_103 = arith.constant 1 : i32
      %get3A_104 = arith.index_cast %get3A_103 : i32 to index
      %get3A_105 = arith.index_cast %add3A_89 : i32 to index
      %get3A_106 = arith.constant 16 : index
      %get3A_107 = tpu.vector_load %arg5[%get3A_104, %get3A_105, %get3A_106] {strides = array<i32>} : memref<4x128x64xf32, #tpu.memory_space<vmem>>, vector<16xf32>,
      %add3A_108 = arith.constant 16 : i32
      %add3A_109 = vector.broadcast %add3A_108 : i32 to vector<16xi32>
      %add3A_110 = arith.addi %iota3A, %add3A_109 : vector<16xi32>
      tpu.vector_store_idx %arg7[%gather3A_94, %add3A_110], %get3A_107 {add = true} : memref<112x64xf32, #tpu.memory_space<vmem>>[vector<16xi32>, vector<16xi32>], vector<16xf32>,
      %get3A_111 = arith.constant 1 : i32
      %get3A_112 = arith.index_cast %get3A_111 : i32 to index
      %get3A_113 = arith.index_cast %add3A_89 : i32 to index
      %get3A_114 = arith.constant 32 : index
      %get3A_115 = tpu.vector_load %arg5[%get3A_112, %get3A_113, %get3A_114] {strides = array<i32>} : memref<4x128x64xf32, #tpu.memory_space<vmem>>, vector<16xf32>,
      %add3A_116 = arith.constant 32 : i32
      %add3A_117 = vector.broadcast %add3A_116 : i32 to vector<16xi32>
      %add3A_118 = arith.addi %iota3A, %add3A_117 : vector<16xi32>
      tpu.vector_store_idx %arg7[%gather3A_94, %add3A_118], %get3A_115 {add = true} : memref<112x64xf32, #tpu.memory_space<vmem>>[vector<16xi32>, vector<16xi32>], vector<16xf32>,
      %get3A_119 = arith.constant 1 : i32
      %get3A_120 = arith.index_cast %get3A_119 : i32 to index
      %get3A_121 = arith.index_cast %add3A_89 : i32 to index
      %get3A_122 = arith.constant 48 : index
      %get3A_123 = tpu.vector_load %arg5[%get3A_120, %get3A_121, %get3A_122] {strides = array<i32>} : memref<4x128x64xf32, #tpu.memory_space<vmem>>, vector<16xf32>,
      %add3A_124 = arith.constant 48 : i32
      %add3A_125 = vector.broadcast %add3A_124 : i32 to vector<16xi32>
      %add3A_126 = arith.addi %iota3A, %add3A_125 : vector<16xi32>
      tpu.vector_store_idx %arg7[%gather3A_94, %add3A_126], %get3A_123 {add = true} : memref<112x64xf32, #tpu.memory_space<vmem>>[vector<16xi32>, vector<16xi32>], vector<16xf32>,
    }
    %scan3A_33 = arith.constant 128 : i32
    %scan3A_34 = arith.constant 0 : i32
    %scan3A_35 = arith.constant 128 : i32
    %scan3A_36 = arith.addi %scan3A_34, %scan3A_35 : i32
    %scan3A_37 = arith.constant 2 : i32
    scf.for %scan3A_44 = %scan3A_34 to %scan3A_36 step %scan3A_37  : i32 {
      %mul3A_45 = arith.constant 1 : i32
      %mul3A_46 = arith.muli %scan3A_44, %mul3A_45 : i32
      %add3A_47 = arith.constant 0 : i32
      %add3A_48 = arith.addi %add3A_47, %mul3A_46 : i32
      %broadcast_in_dim3A_49 = arith.constant 256 : i32
      %broadcast_in_dim3A_50 = vector.broadcast %broadcast_in_dim3A_49 : i32 to vector<16xi32>
      %add3A_51 = vector.broadcast %add3A_48 : i32 to vector<16xi32>
      %add3A_52 = arith.addi %broadcast_in_dim3A_50, %add3A_51 : vector<16xi32>
      %gather3A = tpu.vector_load_idx %arg6[%add3A_52] : memref<512xi32, #tpu.memory_space<vmem>>[vector<16xi32>], vector<16xi32>,
      %get3A = arith.constant 2 : i32
      %get3A_53 = arith.index_cast %get3A : i32 to index
      %get3A_54 = arith.index_cast %add3A_48 : i32 to index
      %get3A_55 = arith.constant 0 : index
      %get3A_56 = tpu.vector_load %arg5[%get3A_53, %get3A_54, %get3A_55] {strides = array<i32>} : memref<4x128x64xf32, #tpu.memory_space<vmem>>, vector<16xf32>,
      %add3A_57 = arith.constant 0 : i32
      %add3A_58 = vector.broadcast %add3A_57 : i32 to vector<16xi32>
      %add3A_59 = arith.addi %iota3A, %add3A_58 : vector<16xi32>
      tpu.vector_store_idx %arg7[%gather3A, %add3A_59], %get3A_56 {add = true} : memref<112x64xf32, #tpu.memory_space<vmem>>[vector<16xi32>, vector<16xi32>], vector<16xf32>,
      %get3A_60 = arith.constant 2 : i32
      %get3A_61 = arith.index_cast %get3A_60 : i32 to index
      %get3A_62 = arith.index_cast %add3A_48 : i32 to index
      %get3A_63 = arith.constant 16 : index
      %get3A_64 = tpu.vector_load %arg5[%get3A_61, %get3A_62, %get3A_63] {strides = array<i32>} : memref<4x128x64xf32, #tpu.memory_space<vmem>>, vector<16xf32>,
      %add3A_65 = arith.constant 16 : i32
      %add3A_66 = vector.broadcast %add3A_65 : i32 to vector<16xi32>
      %add3A_67 = arith.addi %iota3A, %add3A_66 : vector<16xi32>
      tpu.vector_store_idx %arg7[%gather3A, %add3A_67], %get3A_64 {add = true} : memref<112x64xf32, #tpu.memory_space<vmem>>[vector<16xi32>, vector<16xi32>], vector<16xf32>,
      %get3A_68 = arith.constant 2 : i32
      %get3A_69 = arith.index_cast %get3A_68 : i32 to index
      %get3A_70 = arith.index_cast %add3A_48 : i32 to index
      %get3A_71 = arith.constant 32 : index
      %get3A_72 = tpu.vector_load %arg5[%get3A_69, %get3A_70, %get3A_71] {strides = array<i32>} : memref<4x128x64xf32, #tpu.memory_space<vmem>>, vector<16xf32>,
      %add3A_73 = arith.constant 32 : i32
      %add3A_74 = vector.broadcast %add3A_73 : i32 to vector<16xi32>
      %add3A_75 = arith.addi %iota3A, %add3A_74 : vector<16xi32>
      tpu.vector_store_idx %arg7[%gather3A, %add3A_75], %get3A_72 {add = true} : memref<112x64xf32, #tpu.memory_space<vmem>>[vector<16xi32>, vector<16xi32>], vector<16xf32>,
      %get3A_76 = arith.constant 2 : i32
      %get3A_77 = arith.index_cast %get3A_76 : i32 to index
      %get3A_78 = arith.index_cast %add3A_48 : i32 to index
      %get3A_79 = arith.constant 48 : index
      %get3A_80 = tpu.vector_load %arg5[%get3A_77, %get3A_78, %get3A_79] {strides = array<i32>} : memref<4x128x64xf32, #tpu.memory_space<vmem>>, vector<16xf32>,
      %add3A_81 = arith.constant 48 : i32
      %add3A_82 = vector.broadcast %add3A_81 : i32 to vector<16xi32>
      %add3A_83 = arith.addi %iota3A, %add3A_82 : vector<16xi32>
      tpu.vector_store_idx %arg7[%gather3A, %add3A_83], %get3A_80 {add = true} : memref<112x64xf32, #tpu.memory_space<vmem>>[vector<16xi32>, vector<16xi32>], vector<16xf32>,
      %scan3A_84 = arith.constant 1 : i32
      %scan3A_85 = arith.addi %scan3A_44, %scan3A_84 : i32
      %mul3A_86 = arith.constant 1 : i32
      %mul3A_87 = arith.muli %scan3A_85, %mul3A_86 : i32
      %add3A_88 = arith.constant 0 : i32
      %add3A_89 = arith.addi %add3A_88, %mul3A_87 : i32
      %broadcast_in_dim3A_90 = arith.constant 256 : i32
      %broadcast_in_dim3A_91 = vector.broadcast %broadcast_in_dim3A_90 : i32 to vector<16xi32>
      %add3A_92 = vector.broadcast %add3A_89 : i32 to vector<16xi32>
      %add3A_93 = arith.addi %broadcast_in_dim3A_91, %add3A_92 : vector<16xi32>
      %gather3A_94 = tpu.vector_load_idx %arg6[%add3A_93] : memref<512xi32, #tpu.memory_space<vmem>>[vector<16xi32>], vector<16xi32>,
      %get3A_95 = arith.constant 2 : i32
      %get3A_96 = arith.index_cast %get3A_95 : i32 to index
      %get3A_97 = arith.index_cast %add3A_89 : i32 to index
      %get3A_98 = arith.constant 0 : index
      %get3A_99 = tpu.vector_load %arg5[%get3A_96, %get3A_97, %get3A_98] {strides = array<i32>} : memref<4x128x64xf32, #tpu.memory_space<vmem>>, vector<16xf32>,
      %add3A_100 = arith.constant 0 : i32
      %add3A_101 = vector.broadcast %add3A_100 : i32 to vector<16xi32>
      %add3A_102 = arith.addi %iota3A, %add3A_101 : vector<16xi32>
      tpu.vector_store_idx %arg7[%gather3A_94, %add3A_102], %get3A_99 {add = true} : memref<112x64xf32, #tpu.memory_space<vmem>>[vector<16xi32>, vector<16xi32>], vector<16xf32>,
      %get3A_103 = arith.constant 2 : i32
      %get3A_104 = arith.index_cast %get3A_103 : i32 to index
      %get3A_105 = arith.index_cast %add3A_89 : i32 to index
      %get3A_106 = arith.constant 16 : index
      %get3A_107 = tpu.vector_load %arg5[%get3A_104, %get3A_105, %get3A_106] {strides = array<i32>} : memref<4x128x64xf32, #tpu.memory_space<vmem>>, vector<16xf32>,
      %add3A_108 = arith.constant 16 : i32
      %add3A_109 = vector.broadcast %add3A_108 : i32 to vector<16xi32>
      %add3A_110 = arith.addi %iota3A, %add3A_109 : vector<16xi32>
      tpu.vector_store_idx %arg7[%gather3A_94, %add3A_110], %get3A_107 {add = true} : memref<112x64xf32, #tpu.memory_space<vmem>>[vector<16xi32>, vector<16xi32>], vector<16xf32>,
      %get3A_111 = arith.constant 2 : i32
      %get3A_112 = arith.index_cast %get3A_111 : i32 to index
      %get3A_113 = arith.index_cast %add3A_89 : i32 to index
      %get3A_114 = arith.constant 32 : index
      %get3A_115 = tpu.vector_load %arg5[%get3A_112, %get3A_113, %get3A_114] {strides = array<i32>} : memref<4x128x64xf32, #tpu.memory_space<vmem>>, vector<16xf32>,
      %add3A_116 = arith.constant 32 : i32
      %add3A_117 = vector.broadcast %add3A_116 : i32 to vector<16xi32>
      %add3A_118 = arith.addi %iota3A, %add3A_117 : vector<16xi32>
      tpu.vector_store_idx %arg7[%gather3A_94, %add3A_118], %get3A_115 {add = true} : memref<112x64xf32, #tpu.memory_space<vmem>>[vector<16xi32>, vector<16xi32>], vector<16xf32>,
      %get3A_119 = arith.constant 2 : i32
      %get3A_120 = arith.index_cast %get3A_119 : i32 to index
      %get3A_121 = arith.index_cast %add3A_89 : i32 to index
      %get3A_122 = arith.constant 48 : index
      %get3A_123 = tpu.vector_load %arg5[%get3A_120, %get3A_121, %get3A_122] {strides = array<i32>} : memref<4x128x64xf32, #tpu.memory_space<vmem>>, vector<16xf32>,
      %add3A_124 = arith.constant 48 : i32
      %add3A_125 = vector.broadcast %add3A_124 : i32 to vector<16xi32>
      %add3A_126 = arith.addi %iota3A, %add3A_125 : vector<16xi32>
      tpu.vector_store_idx %arg7[%gather3A_94, %add3A_126], %get3A_123 {add = true} : memref<112x64xf32, #tpu.memory_space<vmem>>[vector<16xi32>, vector<16xi32>], vector<16xf32>,
    }
    %scan3A_38 = arith.constant 128 : i32
    %scan3A_39 = arith.constant 0 : i32
    %scan3A_40 = arith.constant 128 : i32
    %scan3A_41 = arith.addi %scan3A_39, %scan3A_40 : i32
    %scan3A_42 = arith.constant 2 : i32
    scf.for %scan3A_44 = %scan3A_39 to %scan3A_41 step %scan3A_42  : i32 {
      %mul3A_45 = arith.constant 1 : i32
      %mul3A_46 = arith.muli %scan3A_44, %mul3A_45 : i32
      %add3A_47 = arith.constant 0 : i32
      %add3A_48 = arith.addi %add3A_47, %mul3A_46 : i32
      %broadcast_in_dim3A_49 = arith.constant 384 : i32
      %broadcast_in_dim3A_50 = vector.broadcast %broadcast_in_dim3A_49 : i32 to vector<16xi32>
      %add3A_51 = vector.broadcast %add3A_48 : i32 to vector<16xi32>
      %add3A_52 = arith.addi %broadcast_in_dim3A_50, %add3A_51 : vector<16xi32>
      %gather3A = tpu.vector_load_idx %arg6[%add3A_52] : memref<512xi32, #tpu.memory_space<vmem>>[vector<16xi32>], vector<16xi32>,
      %get3A = arith.constant 3 : i32
      %get3A_53 = arith.index_cast %get3A : i32 to index
      %get3A_54 = arith.index_cast %add3A_48 : i32 to index
      %get3A_55 = arith.constant 0 : index
      %get3A_56 = tpu.vector_load %arg5[%get3A_53, %get3A_54, %get3A_55] {strides = array<i32>} : memref<4x128x64xf32, #tpu.memory_space<vmem>>, vector<16xf32>,
      %add3A_57 = arith.constant 0 : i32
      %add3A_58 = vector.broadcast %add3A_57 : i32 to vector<16xi32>
      %add3A_59 = arith.addi %iota3A, %add3A_58 : vector<16xi32>
      tpu.vector_store_idx %arg7[%gather3A, %add3A_59], %get3A_56 {add = true} : memref<112x64xf32, #tpu.memory_space<vmem>>[vector<16xi32>, vector<16xi32>], vector<16xf32>,
      %get3A_60 = arith.constant 3 : i32
      %get3A_61 = arith.index_cast %get3A_60 : i32 to index
      %get3A_62 = arith.index_cast %add3A_48 : i32 to index
      %get3A_63 = arith.constant 16 : index
      %get3A_64 = tpu.vector_load %arg5[%get3A_61, %get3A_62, %get3A_63] {strides = array<i32>} : memref<4x128x64xf32, #tpu.memory_space<vmem>>, vector<16xf32>,
      %add3A_65 = arith.constant 16 : i32
      %add3A_66 = vector.broadcast %add3A_65 : i32 to vector<16xi32>
      %add3A_67 = arith.addi %iota3A, %add3A_66 : vector<16xi32>
      tpu.vector_store_idx %arg7[%gather3A, %add3A_67], %get3A_64 {add = true} : memref<112x64xf32, #tpu.memory_space<vmem>>[vector<16xi32>, vector<16xi32>], vector<16xf32>,
      %get3A_68 = arith.constant 3 : i32
      %get3A_69 = arith.index_cast %get3A_68 : i32 to index
      %get3A_70 = arith.index_cast %add3A_48 : i32 to index
      %get3A_71 = arith.constant 32 : index
      %get3A_72 = tpu.vector_load %arg5[%get3A_69, %get3A_70, %get3A_71] {strides = array<i32>} : memref<4x128x64xf32, #tpu.memory_space<vmem>>, vector<16xf32>,
      %add3A_73 = arith.constant 32 : i32
      %add3A_74 = vector.broadcast %add3A_73 : i32 to vector<16xi32>
      %add3A_75 = arith.addi %iota3A, %add3A_74 : vector<16xi32>
      tpu.vector_store_idx %arg7[%gather3A, %add3A_75], %get3A_72 {add = true} : memref<112x64xf32, #tpu.memory_space<vmem>>[vector<16xi32>, vector<16xi32>], vector<16xf32>,
      %get3A_76 = arith.constant 3 : i32
      %get3A_77 = arith.index_cast %get3A_76 : i32 to index
      %get3A_78 = arith.index_cast %add3A_48 : i32 to index
      %get3A_79 = arith.constant 48 : index
      %get3A_80 = tpu.vector_load %arg5[%get3A_77, %get3A_78, %get3A_79] {strides = array<i32>} : memref<4x128x64xf32, #tpu.memory_space<vmem>>, vector<16xf32>,
      %add3A_81 = arith.constant 48 : i32
      %add3A_82 = vector.broadcast %add3A_81 : i32 to vector<16xi32>
      %add3A_83 = arith.addi %iota3A, %add3A_82 : vector<16xi32>
      tpu.vector_store_idx %arg7[%gather3A, %add3A_83], %get3A_80 {add = true} : memref<112x64xf32, #tpu.memory_space<vmem>>[vector<16xi32>, vector<16xi32>], vector<16xf32>,
      %scan3A_84 = arith.constant 1 : i32
      %scan3A_85 = arith.addi %scan3A_44, %scan3A_84 : i32
      %mul3A_86 = arith.constant 1 : i32
      %mul3A_87 = arith.muli %scan3A_85, %mul3A_86 : i32
      %add3A_88 = arith.constant 0 : i32
      %add3A_89 = arith.addi %add3A_88, %mul3A_87 : i32
      %broadcast_in_dim3A_90 = arith.constant 384 : i32
      %broadcast_in_dim3A_91 = vector.broadcast %broadcast_in_dim3A_90 : i32 to vector<16xi32>
      %add3A_92 = vector.broadcast %add3A_89 : i32 to vector<16xi32>
      %add3A_93 = arith.addi %broadcast_in_dim3A_91, %add3A_92 : vector<16xi32>
      %gather3A_94 = tpu.vector_load_idx %arg6[%add3A_93] : memref<512xi32, #tpu.memory_space<vmem>>[vector<16xi32>], vector<16xi32>,
      %get3A_95 = arith.constant 3 : i32
      %get3A_96 = arith.index_cast %get3A_95 : i32 to index
      %get3A_97 = arith.index_cast %add3A_89 : i32 to index
      %get3A_98 = arith.constant 0 : index
      %get3A_99 = tpu.vector_load %arg5[%get3A_96, %get3A_97, %get3A_98] {strides = array<i32>} : memref<4x128x64xf32, #tpu.memory_space<vmem>>, vector<16xf32>,
      %add3A_100 = arith.constant 0 : i32
      %add3A_101 = vector.broadcast %add3A_100 : i32 to vector<16xi32>
      %add3A_102 = arith.addi %iota3A, %add3A_101 : vector<16xi32>
      tpu.vector_store_idx %arg7[%gather3A_94, %add3A_102], %get3A_99 {add = true} : memref<112x64xf32, #tpu.memory_space<vmem>>[vector<16xi32>, vector<16xi32>], vector<16xf32>,
      %get3A_103 = arith.constant 3 : i32
      %get3A_104 = arith.index_cast %get3A_103 : i32 to index
      %get3A_105 = arith.index_cast %add3A_89 : i32 to index
      %get3A_106 = arith.constant 16 : index
      %get3A_107 = tpu.vector_load %arg5[%get3A_104, %get3A_105, %get3A_106] {strides = array<i32>} : memref<4x128x64xf32, #tpu.memory_space<vmem>>, vector<16xf32>,
      %add3A_108 = arith.constant 16 : i32
      %add3A_109 = vector.broadcast %add3A_108 : i32 to vector<16xi32>
      %add3A_110 = arith.addi %iota3A, %add3A_109 : vector<16xi32>
      tpu.vector_store_idx %arg7[%gather3A_94, %add3A_110], %get3A_107 {add = true} : memref<112x64xf32, #tpu.memory_space<vmem>>[vector<16xi32>, vector<16xi32>], vector<16xf32>,
      %get3A_111 = arith.constant 3 : i32
      %get3A_112 = arith.index_cast %get3A_111 : i32 to index
      %get3A_113 = arith.index_cast %add3A_89 : i32 to index
      %get3A_114 = arith.constant 32 : index
      %get3A_115 = tpu.vector_load %arg5[%get3A_112, %get3A_113, %get3A_114] {strides = array<i32>} : memref<4x128x64xf32, #tpu.memory_space<vmem>>, vector<16xf32>,
      %add3A_116 = arith.constant 32 : i32
      %add3A_117 = vector.broadcast %add3A_116 : i32 to vector<16xi32>
      %add3A_118 = arith.addi %iota3A, %add3A_117 : vector<16xi32>
      tpu.vector_store_idx %arg7[%gather3A_94, %add3A_118], %get3A_115 {add = true} : memref<112x64xf32, #tpu.memory_space<vmem>>[vector<16xi32>, vector<16xi32>], vector<16xf32>,
      %get3A_119 = arith.constant 3 : i32
      %get3A_120 = arith.index_cast %get3A_119 : i32 to index
      %get3A_121 = arith.index_cast %add3A_89 : i32 to index
      %get3A_122 = arith.constant 48 : index
      %get3A_123 = tpu.vector_load %arg5[%get3A_120, %get3A_121, %get3A_122] {strides = array<i32>} : memref<4x128x64xf32, #tpu.memory_space<vmem>>, vector<16xf32>,
      %add3A_124 = arith.constant 48 : i32
      %add3A_125 = vector.broadcast %add3A_124 : i32 to vector<16xi32>
      %add3A_126 = arith.addi %iota3A, %add3A_125 : vector<16xi32>
      tpu.vector_store_idx %arg7[%gather3A_94, %add3A_126], %get3A_123 {add = true} : memref<112x64xf32, #tpu.memory_space<vmem>>[vector<16xi32>, vector<16xi32>], vector<16xf32>,
    }
    %scan3A_43 = arith.constant 128 : i32
    "tpu.region"() ({
      %run_scoped3A = tpu.sem_alloc : memref<!tpu.dma_semaphore, #tpu.memory_space<semaphore_mem>>
      %dma_start3A_44 = arith.constant 0 : i32
      %dma_start3A_45 = arith.constant 0 : i32
      %dma_start3A_46 = tpu.memref_slice %arg4[%add3A, %dma_start3A_44, %dma_start3A_45] : memref<32x112x64xf32, #tpu.memory_space<hbm>> -> memref<1x112x64xf32, #tpu.memory_space<hbm>>
      %dma_start3A_47 = tpu.memref_squeeze %dma_start3A_46 : memref<1x112x64xf32, #tpu.memory_space<hbm>> -> memref<112x64xf32, #tpu.memory_space<hbm>>
      %dma_start3A_48 = arith.constant 0 : i32
      %dma_start3A_49 = arith.constant 0 : i32
      %dma_start3A_50 = tpu.memref_slice %arg4[%add3A, %dma_start3A_48, %dma_start3A_49] : memref<32x112x64xf32, #tpu.memory_space<hbm>> -> memref<1x112x64xf32, #tpu.memory_space<hbm>>
      %dma_start3A_51 = tpu.memref_squeeze %dma_start3A_50 : memref<1x112x64xf32, #tpu.memory_space<hbm>> -> memref<112x64xf32, #tpu.memory_space<hbm>>
      tpu.enqueue_dma source(%arg7 : memref<112x64xf32, #tpu.memory_space<vmem>>) target(%dma_start3A_51 : memref<112x64xf32, #tpu.memory_space<hbm>>) target_semaphore(%run_scoped3A : memref<!tpu.dma_semaphore, #tpu.memory_space<semaphore_mem>>)
      %dma_wait3A_52 = arith.constant 0 : i32
      %dma_wait3A_53 = arith.constant 0 : i32
      %dma_wait3A_54 = tpu.memref_slice %arg4[%add3A, %dma_wait3A_52, %dma_wait3A_53] : memref<32x112x64xf32, #tpu.memory_space<hbm>> -> memref<1x112x64xf32, #tpu.memory_space<hbm>>
      %dma_wait3A_55 = tpu.memref_squeeze %dma_wait3A_54 : memref<1x112x64xf32, #tpu.memory_space<hbm>> -> memref<112x64xf32, #tpu.memory_space<hbm>>
      %dma_wait3A_56 = arith.constant 0 : i32
      %dma_wait3A_57 = arith.constant 0 : i32
      %dma_wait3A_58 = tpu.memref_slice %arg4[%add3A, %dma_wait3A_56, %dma_wait3A_57] : memref<32x112x64xf32, #tpu.memory_space<hbm>> -> memref<1x112x64xf32, #tpu.memory_space<hbm>>
      %dma_wait3A_59 = tpu.memref_squeeze %dma_wait3A_58 : memref<1x112x64xf32, #tpu.memory_space<hbm>> -> memref<112x64xf32, #tpu.memory_space<hbm>>
      tpu.wait_dma2 semaphore(%run_scoped3A : memref<!tpu.dma_semaphore, #tpu.memory_space<semaphore_mem>>) src(%arg7 : memref<112x64xf32, #tpu.memory_space<vmem>>) dst(%dma_wait3A_59 : memref<112x64xf32, #tpu.memory_space<hbm>>)
      tpu.yield
    }) : () -> ()
    return
  }
}

module attributes {stable_mosaic.version = 14 : i64} {
  func.func @body(%arg0: memref<128x128xi32, #tpu.memory_space<vmem>>, %arg1: memref<112x128xf32, #tpu.memory_space<vmem>>) attributes {dimension_semantics = [], scalar_prefetch = 0 : i64, scratch_operands = 0 : i64, tpu.core_type = #tpu.core_type<tc>} {
    %get3A = arith.constant 0 : index
    %get3A_0 = arith.constant 0 : index
    %get3A_1 = vector.load %arg0[%get3A, %get3A_0] : memref<128x128xi32, #tpu.memory_space<vmem>>, vector<128x128xi32>
    %iota3A = tpu.iota {dimensions = array<i32: 0>} : vector<112x1x1xi32>
    %broadcast_in_dim3A = vector.shape_cast %get3A_1 : vector<128x128xi32> to vector<1x128x128xi32>
    %eq3A = vector.broadcast %broadcast_in_dim3A : vector<1x128x128xi32> to vector<112x128x128xi32>
    %eq3A_2 = vector.broadcast %iota3A : vector<112x1x1xi32> to vector<112x128x128xi32>
    %eq3A_3 = arith.cmpi eq, %eq3A, %eq3A_2 : vector<112x128x128xi32>
    %convert_element_type3A = arith.extui %eq3A_3 : vector<112x128x128xi1> to vector<112x128x128xi32>
    %convert_element_type3A_4 = arith.sitofp %convert_element_type3A : vector<112x128x128xi32> to vector<112x128x128xf32>
    %reduce_sum3A = arith.constant dense<0.000000e+00> : vector<112x128xf32>
    %reduce_sum3A_5 = vector.multi_reduction <add>, %convert_element_type3A_4, %reduce_sum3A [2] : vector<112x128x128xf32> to vector<112x128xf32>
    %swap3A = arith.constant 0 : index
    %swap3A_6 = arith.constant 0 : index
    %swap3A_7 = vector.load %arg1[%swap3A, %swap3A_6] : memref<112x128xf32, #tpu.memory_space<vmem>>, vector<112x128xf32>
    tpu.vector_store %arg1[%swap3A, %swap3A_6], %reduce_sum3A_5 {strides = array<i32>} : memref<112x128xf32, #tpu.memory_space<vmem>>, vector<112x128xf32>,
    return
  }
}

module attributes {stable_mosaic.version = 14 : i64} {
  func.func @body(%arg0: i32, %arg1: memref<2048x64xf32, #tpu.memory_space<vmem>>, %arg2: memref<1x1xf32, #tpu.memory_space<smem>>) attributes {dimension_semantics = [#tpu.dimension_semantics<arbitrary>], iteration_bounds = array<i64: 8>, scalar_prefetch = 0 : i64, scratch_operands = 0 : i64, tpu.core_type = #tpu.core_type<tc>, window_params = [{transform_indices = @transform_0, window_bounds = array<i64: 2048, 64>}, {transform_indices = @transform_1, window_bounds = array<i64: 1, 1>}]} {
    %eq3A = arith.constant 0 : i32
    %eq3A_0 = arith.cmpi eq, %arg0, %eq3A : i32
    %convert_element_type3A = arith.extui %eq3A_0 : i1 to i32
    %cond3A = arith.constant 0 : i32
    %cond3A_1 = arith.cmpi ne, %convert_element_type3A, %cond3A : i32
    scf.if %cond3A_1 {
      %swap3A_13 = arith.constant 0.000000e+00 : f32
      %swap3A_14 = arith.constant 0 : index
      %swap3A_15 = arith.constant 0 : index
      %swap3A_16 = memref.load %arg2[%swap3A_14, %swap3A_15] : memref<1x1xf32, #tpu.memory_space<smem>>
      memref.store %swap3A_13, %arg2[%swap3A_14, %swap3A_15] : memref<1x1xf32, #tpu.memory_space<smem>>
    } else {
    }
    %get3A = arith.constant 0 : index
    %get3A_2 = arith.constant 0 : index
    %get3A_3 = vector.load %arg1[%get3A, %get3A_2] : memref<2048x64xf32, #tpu.memory_space<vmem>>, vector<2048x64xf32>
    %get3A_4 = arith.constant 0 : index
    %get3A_5 = arith.constant 0 : index
    %get3A_6 = memref.load %arg2[%get3A_4, %get3A_5] : memref<1x1xf32, #tpu.memory_space<smem>>
    %mul3A = arith.mulf %get3A_3, %get3A_3 : vector<2048x64xf32>
    %reduce_sum3A = vector.shape_cast %mul3A : vector<2048x64xf32> to vector<1x2048x64xf32>
    %reduce_sum3A_7 = arith.constant dense<0.000000e+00> : vector<1xf32>
    %reduce_sum3A_8 = vector.multi_reduction <add>, %reduce_sum3A, %reduce_sum3A_7 [1, 2] : vector<1x2048x64xf32> to vector<1xf32>
    %reduce_sum3A_9 = vector.shape_cast %reduce_sum3A_8 : vector<1xf32> to vector<1x1x1xf32>
    %reduce_sum3A_10 = vector.extract %reduce_sum3A_9[0, 0, 0] : f32 from vector<1x1x1xf32>
    %add3A = arith.addf %get3A_6, %reduce_sum3A_10 : f32
    %swap3A = arith.constant 0 : index
    %swap3A_11 = arith.constant 0 : index
    %swap3A_12 = memref.load %arg2[%swap3A, %swap3A_11] : memref<1x1xf32, #tpu.memory_space<smem>>
    memref.store %add3A, %arg2[%swap3A, %swap3A_11] : memref<1x1xf32, #tpu.memory_space<smem>>
    return
  }
  func.func @transform_0(%arg0: i32) -> (i32, i32) {
    %c0_i32 = arith.constant 0 : i32
    %c0_i32_0 = arith.constant 0 : i32
    return %arg0, %c0_i32 : i32, i32
  }
  func.func @transform_1(%arg0: i32) -> (i32, i32) {
    %c0_i32 = arith.constant 0 : i32
    %c0_i32_0 = arith.constant 0 : i32
    %c0_i32_1 = arith.constant 0 : i32
    return %c0_i32, %c0_i32_0 : i32, i32
  }
}

module attributes {stable_mosaic.version = 14 : i64} {
  func.func @body(%arg0: memref<32x112x64xf32, #tpu.memory_space<vmem>>, %arg1: memref<112x128xf32, #tpu.memory_space<vmem>>, %arg2: memref<1x1xf32, #tpu.memory_space<smem>>, %arg3: memref<1x1xi32, #tpu.memory_space<smem>>, %arg4: memref<1x1xf32, #tpu.memory_space<smem>>) attributes {dimension_semantics = [], scalar_prefetch = 0 : i64, scratch_operands = 0 : i64, tpu.core_type = #tpu.core_type<tc>} {
    %get3A = arith.constant 0 : index
    %get3A_0 = arith.constant 0 : index
    %get3A_1 = arith.constant 0 : index
    %get3A_2 = vector.load %arg0[%get3A, %get3A_0, %get3A_1] : memref<32x112x64xf32, #tpu.memory_space<vmem>>, vector<1x112x64xf32>
    %get3A_3 = vector.shape_cast %get3A_2 : vector<1x112x64xf32> to vector<112x64xf32>
    %get3A_4 = arith.constant 1 : index
    %get3A_5 = arith.constant 0 : index
    %get3A_6 = arith.constant 0 : index
    %get3A_7 = vector.load %arg0[%get3A_4, %get3A_5, %get3A_6] : memref<32x112x64xf32, #tpu.memory_space<vmem>>, vector<1x112x64xf32>
    %get3A_8 = vector.shape_cast %get3A_7 : vector<1x112x64xf32> to vector<112x64xf32>
    %add3A = arith.addf %get3A_3, %get3A_8 : vector<112x64xf32>
    %get3A_9 = arith.constant 2 : index
    %get3A_10 = arith.constant 0 : index
    %get3A_11 = arith.constant 0 : index
    %get3A_12 = vector.load %arg0[%get3A_9, %get3A_10, %get3A_11] : memref<32x112x64xf32, #tpu.memory_space<vmem>>, vector<1x112x64xf32>
    %get3A_13 = vector.shape_cast %get3A_12 : vector<1x112x64xf32> to vector<112x64xf32>
    %add3A_14 = arith.addf %add3A, %get3A_13 : vector<112x64xf32>
    %get3A_15 = arith.constant 3 : index
    %get3A_16 = arith.constant 0 : index
    %get3A_17 = arith.constant 0 : index
    %get3A_18 = vector.load %arg0[%get3A_15, %get3A_16, %get3A_17] : memref<32x112x64xf32, #tpu.memory_space<vmem>>, vector<1x112x64xf32>
    %get3A_19 = vector.shape_cast %get3A_18 : vector<1x112x64xf32> to vector<112x64xf32>
    %add3A_20 = arith.addf %add3A_14, %get3A_19 : vector<112x64xf32>
    %get3A_21 = arith.constant 4 : index
    %get3A_22 = arith.constant 0 : index
    %get3A_23 = arith.constant 0 : index
    %get3A_24 = vector.load %arg0[%get3A_21, %get3A_22, %get3A_23] : memref<32x112x64xf32, #tpu.memory_space<vmem>>, vector<1x112x64xf32>
    %get3A_25 = vector.shape_cast %get3A_24 : vector<1x112x64xf32> to vector<112x64xf32>
    %add3A_26 = arith.addf %add3A_20, %get3A_25 : vector<112x64xf32>
    %get3A_27 = arith.constant 5 : index
    %get3A_28 = arith.constant 0 : index
    %get3A_29 = arith.constant 0 : index
    %get3A_30 = vector.load %arg0[%get3A_27, %get3A_28, %get3A_29] : memref<32x112x64xf32, #tpu.memory_space<vmem>>, vector<1x112x64xf32>
    %get3A_31 = vector.shape_cast %get3A_30 : vector<1x112x64xf32> to vector<112x64xf32>
    %add3A_32 = arith.addf %add3A_26, %get3A_31 : vector<112x64xf32>
    %get3A_33 = arith.constant 6 : index
    %get3A_34 = arith.constant 0 : index
    %get3A_35 = arith.constant 0 : index
    %get3A_36 = vector.load %arg0[%get3A_33, %get3A_34, %get3A_35] : memref<32x112x64xf32, #tpu.memory_space<vmem>>, vector<1x112x64xf32>
    %get3A_37 = vector.shape_cast %get3A_36 : vector<1x112x64xf32> to vector<112x64xf32>
    %add3A_38 = arith.addf %add3A_32, %get3A_37 : vector<112x64xf32>
    %get3A_39 = arith.constant 7 : index
    %get3A_40 = arith.constant 0 : index
    %get3A_41 = arith.constant 0 : index
    %get3A_42 = vector.load %arg0[%get3A_39, %get3A_40, %get3A_41] : memref<32x112x64xf32, #tpu.memory_space<vmem>>, vector<1x112x64xf32>
    %get3A_43 = vector.shape_cast %get3A_42 : vector<1x112x64xf32> to vector<112x64xf32>
    %add3A_44 = arith.addf %add3A_38, %get3A_43 : vector<112x64xf32>
    %get3A_45 = arith.constant 8 : index
    %get3A_46 = arith.constant 0 : index
    %get3A_47 = arith.constant 0 : index
    %get3A_48 = vector.load %arg0[%get3A_45, %get3A_46, %get3A_47] : memref<32x112x64xf32, #tpu.memory_space<vmem>>, vector<1x112x64xf32>
    %get3A_49 = vector.shape_cast %get3A_48 : vector<1x112x64xf32> to vector<112x64xf32>
    %add3A_50 = arith.addf %add3A_44, %get3A_49 : vector<112x64xf32>
    %get3A_51 = arith.constant 9 : index
    %get3A_52 = arith.constant 0 : index
    %get3A_53 = arith.constant 0 : index
    %get3A_54 = vector.load %arg0[%get3A_51, %get3A_52, %get3A_53] : memref<32x112x64xf32, #tpu.memory_space<vmem>>, vector<1x112x64xf32>
    %get3A_55 = vector.shape_cast %get3A_54 : vector<1x112x64xf32> to vector<112x64xf32>
    %add3A_56 = arith.addf %add3A_50, %get3A_55 : vector<112x64xf32>
    %get3A_57 = arith.constant 10 : index
    %get3A_58 = arith.constant 0 : index
    %get3A_59 = arith.constant 0 : index
    %get3A_60 = vector.load %arg0[%get3A_57, %get3A_58, %get3A_59] : memref<32x112x64xf32, #tpu.memory_space<vmem>>, vector<1x112x64xf32>
    %get3A_61 = vector.shape_cast %get3A_60 : vector<1x112x64xf32> to vector<112x64xf32>
    %add3A_62 = arith.addf %add3A_56, %get3A_61 : vector<112x64xf32>
    %get3A_63 = arith.constant 11 : index
    %get3A_64 = arith.constant 0 : index
    %get3A_65 = arith.constant 0 : index
    %get3A_66 = vector.load %arg0[%get3A_63, %get3A_64, %get3A_65] : memref<32x112x64xf32, #tpu.memory_space<vmem>>, vector<1x112x64xf32>
    %get3A_67 = vector.shape_cast %get3A_66 : vector<1x112x64xf32> to vector<112x64xf32>
    %add3A_68 = arith.addf %add3A_62, %get3A_67 : vector<112x64xf32>
    %get3A_69 = arith.constant 12 : index
    %get3A_70 = arith.constant 0 : index
    %get3A_71 = arith.constant 0 : index
    %get3A_72 = vector.load %arg0[%get3A_69, %get3A_70, %get3A_71] : memref<32x112x64xf32, #tpu.memory_space<vmem>>, vector<1x112x64xf32>
    %get3A_73 = vector.shape_cast %get3A_72 : vector<1x112x64xf32> to vector<112x64xf32>
    %add3A_74 = arith.addf %add3A_68, %get3A_73 : vector<112x64xf32>
    %get3A_75 = arith.constant 13 : index
    %get3A_76 = arith.constant 0 : index
    %get3A_77 = arith.constant 0 : index
    %get3A_78 = vector.load %arg0[%get3A_75, %get3A_76, %get3A_77] : memref<32x112x64xf32, #tpu.memory_space<vmem>>, vector<1x112x64xf32>
    %get3A_79 = vector.shape_cast %get3A_78 : vector<1x112x64xf32> to vector<112x64xf32>
    %add3A_80 = arith.addf %add3A_74, %get3A_79 : vector<112x64xf32>
    %get3A_81 = arith.constant 14 : index
    %get3A_82 = arith.constant 0 : index
    %get3A_83 = arith.constant 0 : index
    %get3A_84 = vector.load %arg0[%get3A_81, %get3A_82, %get3A_83] : memref<32x112x64xf32, #tpu.memory_space<vmem>>, vector<1x112x64xf32>
    %get3A_85 = vector.shape_cast %get3A_84 : vector<1x112x64xf32> to vector<112x64xf32>
    %add3A_86 = arith.addf %add3A_80, %get3A_85 : vector<112x64xf32>
    %get3A_87 = arith.constant 15 : index
    %get3A_88 = arith.constant 0 : index
    %get3A_89 = arith.constant 0 : index
    %get3A_90 = vector.load %arg0[%get3A_87, %get3A_88, %get3A_89] : memref<32x112x64xf32, #tpu.memory_space<vmem>>, vector<1x112x64xf32>
    %get3A_91 = vector.shape_cast %get3A_90 : vector<1x112x64xf32> to vector<112x64xf32>
    %add3A_92 = arith.addf %add3A_86, %get3A_91 : vector<112x64xf32>
    %get3A_93 = arith.constant 16 : index
    %get3A_94 = arith.constant 0 : index
    %get3A_95 = arith.constant 0 : index
    %get3A_96 = vector.load %arg0[%get3A_93, %get3A_94, %get3A_95] : memref<32x112x64xf32, #tpu.memory_space<vmem>>, vector<1x112x64xf32>
    %get3A_97 = vector.shape_cast %get3A_96 : vector<1x112x64xf32> to vector<112x64xf32>
    %add3A_98 = arith.addf %add3A_92, %get3A_97 : vector<112x64xf32>
    %get3A_99 = arith.constant 17 : index
    %get3A_100 = arith.constant 0 : index
    %get3A_101 = arith.constant 0 : index
    %get3A_102 = vector.load %arg0[%get3A_99, %get3A_100, %get3A_101] : memref<32x112x64xf32, #tpu.memory_space<vmem>>, vector<1x112x64xf32>
    %get3A_103 = vector.shape_cast %get3A_102 : vector<1x112x64xf32> to vector<112x64xf32>
    %add3A_104 = arith.addf %add3A_98, %get3A_103 : vector<112x64xf32>
    %get3A_105 = arith.constant 18 : index
    %get3A_106 = arith.constant 0 : index
    %get3A_107 = arith.constant 0 : index
    %get3A_108 = vector.load %arg0[%get3A_105, %get3A_106, %get3A_107] : memref<32x112x64xf32, #tpu.memory_space<vmem>>, vector<1x112x64xf32>
    %get3A_109 = vector.shape_cast %get3A_108 : vector<1x112x64xf32> to vector<112x64xf32>
    %add3A_110 = arith.addf %add3A_104, %get3A_109 : vector<112x64xf32>
    %get3A_111 = arith.constant 19 : index
    %get3A_112 = arith.constant 0 : index
    %get3A_113 = arith.constant 0 : index
    %get3A_114 = vector.load %arg0[%get3A_111, %get3A_112, %get3A_113] : memref<32x112x64xf32, #tpu.memory_space<vmem>>, vector<1x112x64xf32>
    %get3A_115 = vector.shape_cast %get3A_114 : vector<1x112x64xf32> to vector<112x64xf32>
    %add3A_116 = arith.addf %add3A_110, %get3A_115 : vector<112x64xf32>
    %get3A_117 = arith.constant 20 : index
    %get3A_118 = arith.constant 0 : index
    %get3A_119 = arith.constant 0 : index
    %get3A_120 = vector.load %arg0[%get3A_117, %get3A_118, %get3A_119] : memref<32x112x64xf32, #tpu.memory_space<vmem>>, vector<1x112x64xf32>
    %get3A_121 = vector.shape_cast %get3A_120 : vector<1x112x64xf32> to vector<112x64xf32>
    %add3A_122 = arith.addf %add3A_116, %get3A_121 : vector<112x64xf32>
    %get3A_123 = arith.constant 21 : index
    %get3A_124 = arith.constant 0 : index
    %get3A_125 = arith.constant 0 : index
    %get3A_126 = vector.load %arg0[%get3A_123, %get3A_124, %get3A_125] : memref<32x112x64xf32, #tpu.memory_space<vmem>>, vector<1x112x64xf32>
    %get3A_127 = vector.shape_cast %get3A_126 : vector<1x112x64xf32> to vector<112x64xf32>
    %add3A_128 = arith.addf %add3A_122, %get3A_127 : vector<112x64xf32>
    %get3A_129 = arith.constant 22 : index
    %get3A_130 = arith.constant 0 : index
    %get3A_131 = arith.constant 0 : index
    %get3A_132 = vector.load %arg0[%get3A_129, %get3A_130, %get3A_131] : memref<32x112x64xf32, #tpu.memory_space<vmem>>, vector<1x112x64xf32>
    %get3A_133 = vector.shape_cast %get3A_132 : vector<1x112x64xf32> to vector<112x64xf32>
    %add3A_134 = arith.addf %add3A_128, %get3A_133 : vector<112x64xf32>
    %get3A_135 = arith.constant 23 : index
    %get3A_136 = arith.constant 0 : index
    %get3A_137 = arith.constant 0 : index
    %get3A_138 = vector.load %arg0[%get3A_135, %get3A_136, %get3A_137] : memref<32x112x64xf32, #tpu.memory_space<vmem>>, vector<1x112x64xf32>
    %get3A_139 = vector.shape_cast %get3A_138 : vector<1x112x64xf32> to vector<112x64xf32>
    %add3A_140 = arith.addf %add3A_134, %get3A_139 : vector<112x64xf32>
    %get3A_141 = arith.constant 24 : index
    %get3A_142 = arith.constant 0 : index
    %get3A_143 = arith.constant 0 : index
    %get3A_144 = vector.load %arg0[%get3A_141, %get3A_142, %get3A_143] : memref<32x112x64xf32, #tpu.memory_space<vmem>>, vector<1x112x64xf32>
    %get3A_145 = vector.shape_cast %get3A_144 : vector<1x112x64xf32> to vector<112x64xf32>
    %add3A_146 = arith.addf %add3A_140, %get3A_145 : vector<112x64xf32>
    %get3A_147 = arith.constant 25 : index
    %get3A_148 = arith.constant 0 : index
    %get3A_149 = arith.constant 0 : index
    %get3A_150 = vector.load %arg0[%get3A_147, %get3A_148, %get3A_149] : memref<32x112x64xf32, #tpu.memory_space<vmem>>, vector<1x112x64xf32>
    %get3A_151 = vector.shape_cast %get3A_150 : vector<1x112x64xf32> to vector<112x64xf32>
    %add3A_152 = arith.addf %add3A_146, %get3A_151 : vector<112x64xf32>
    %get3A_153 = arith.constant 26 : index
    %get3A_154 = arith.constant 0 : index
    %get3A_155 = arith.constant 0 : index
    %get3A_156 = vector.load %arg0[%get3A_153, %get3A_154, %get3A_155] : memref<32x112x64xf32, #tpu.memory_space<vmem>>, vector<1x112x64xf32>
    %get3A_157 = vector.shape_cast %get3A_156 : vector<1x112x64xf32> to vector<112x64xf32>
    %add3A_158 = arith.addf %add3A_152, %get3A_157 : vector<112x64xf32>
    %get3A_159 = arith.constant 27 : index
    %get3A_160 = arith.constant 0 : index
    %get3A_161 = arith.constant 0 : index
    %get3A_162 = vector.load %arg0[%get3A_159, %get3A_160, %get3A_161] : memref<32x112x64xf32, #tpu.memory_space<vmem>>, vector<1x112x64xf32>
    %get3A_163 = vector.shape_cast %get3A_162 : vector<1x112x64xf32> to vector<112x64xf32>
    %add3A_164 = arith.addf %add3A_158, %get3A_163 : vector<112x64xf32>
    %get3A_165 = arith.constant 28 : index
    %get3A_166 = arith.constant 0 : index
    %get3A_167 = arith.constant 0 : index
    %get3A_168 = vector.load %arg0[%get3A_165, %get3A_166, %get3A_167] : memref<32x112x64xf32, #tpu.memory_space<vmem>>, vector<1x112x64xf32>
    %get3A_169 = vector.shape_cast %get3A_168 : vector<1x112x64xf32> to vector<112x64xf32>
    %add3A_170 = arith.addf %add3A_164, %get3A_169 : vector<112x64xf32>
    %get3A_171 = arith.constant 29 : index
    %get3A_172 = arith.constant 0 : index
    %get3A_173 = arith.constant 0 : index
    %get3A_174 = vector.load %arg0[%get3A_171, %get3A_172, %get3A_173] : memref<32x112x64xf32, #tpu.memory_space<vmem>>, vector<1x112x64xf32>
    %get3A_175 = vector.shape_cast %get3A_174 : vector<1x112x64xf32> to vector<112x64xf32>
    %add3A_176 = arith.addf %add3A_170, %get3A_175 : vector<112x64xf32>
    %get3A_177 = arith.constant 30 : index
    %get3A_178 = arith.constant 0 : index
    %get3A_179 = arith.constant 0 : index
    %get3A_180 = vector.load %arg0[%get3A_177, %get3A_178, %get3A_179] : memref<32x112x64xf32, #tpu.memory_space<vmem>>, vector<1x112x64xf32>
    %get3A_181 = vector.shape_cast %get3A_180 : vector<1x112x64xf32> to vector<112x64xf32>
    %add3A_182 = arith.addf %add3A_176, %get3A_181 : vector<112x64xf32>
    %get3A_183 = arith.constant 31 : index
    %get3A_184 = arith.constant 0 : index
    %get3A_185 = arith.constant 0 : index
    %get3A_186 = vector.load %arg0[%get3A_183, %get3A_184, %get3A_185] : memref<32x112x64xf32, #tpu.memory_space<vmem>>, vector<1x112x64xf32>
    %get3A_187 = vector.shape_cast %get3A_186 : vector<1x112x64xf32> to vector<112x64xf32>
    %add3A_188 = arith.addf %add3A_182, %get3A_187 : vector<112x64xf32>
    %get3A_189 = arith.constant 0 : index
    %get3A_190 = arith.constant 0 : index
    %get3A_191 = vector.load %arg1[%get3A_189, %get3A_190] : memref<112x128xf32, #tpu.memory_space<vmem>>, vector<112x128xf32>
    %reduce_sum3A = arith.constant dense<0.000000e+00> : vector<112xf32>
    %reduce_sum3A_192 = vector.multi_reduction <add>, %get3A_191, %reduce_sum3A [1] : vector<112x128xf32> to vector<112xf32>
    %broadcast_in_dim3A = vector.shape_cast %reduce_sum3A_192 : vector<112xf32> to vector<112x1xf32>
    %max3A = arith.constant 1.000000e+00 : f32
    %max3A_193 = vector.broadcast %max3A : f32 to vector<112x1xf32>
    %max3A_194 = arith.maximumf %broadcast_in_dim3A, %max3A_193 : vector<112x1xf32>
    %div3A = vector.broadcast %max3A_194 : vector<112x1xf32> to vector<112x64xf32>
    %div3A_195 = arith.divf %add3A_188, %div3A : vector<112x64xf32>
    %mul3A = arith.mulf %add3A_188, %add3A_188 : vector<112x64xf32>
    %reduce_sum3A_196 = arith.constant dense<0.000000e+00> : vector<112xf32>
    %reduce_sum3A_197 = vector.multi_reduction <add>, %mul3A, %reduce_sum3A_196 [1] : vector<112x64xf32> to vector<112xf32>
    %broadcast_in_dim3A_198 = vector.shape_cast %reduce_sum3A_197 : vector<112xf32> to vector<112x1xf32>
    %div3A_199 = arith.divf %broadcast_in_dim3A_198, %max3A_194 : vector<112x1xf32>
    %get3A_200 = arith.constant 0 : index
    %get3A_201 = arith.constant 0 : index
    %get3A_202 = memref.load %arg2[%get3A_200, %get3A_201] : memref<1x1xf32, #tpu.memory_space<smem>>
    %reduce_sum3A_203 = vector.shape_cast %div3A_199 : vector<112x1xf32> to vector<1x112x1xf32>
    %reduce_sum3A_204 = arith.constant dense<0.000000e+00> : vector<1xf32>
    %reduce_sum3A_205 = vector.multi_reduction <add>, %reduce_sum3A_203, %reduce_sum3A_204 [1, 2] : vector<1x112x1xf32> to vector<1xf32>
    %reduce_sum3A_206 = vector.shape_cast %reduce_sum3A_205 : vector<1xf32> to vector<1x1x1xf32>
    %reduce_sum3A_207 = vector.extract %reduce_sum3A_206[0, 0, 0] : f32 from vector<1x1x1xf32>
    %sub3A = arith.subf %get3A_202, %reduce_sum3A_207 : f32
    %broadcast_in_dim3A_208 = vector.shape_cast %div3A_195 : vector<112x64xf32> to vector<112x1x64xf32>
    %broadcast_in_dim3A_209 = vector.shape_cast %div3A_195 : vector<112x64xf32> to vector<1x112x64xf32>
    %sub3A_210 = vector.broadcast %broadcast_in_dim3A_208 : vector<112x1x64xf32> to vector<112x112x64xf32>
    %sub3A_211 = vector.broadcast %broadcast_in_dim3A_209 : vector<1x112x64xf32> to vector<112x112x64xf32>
    %sub3A_212 = arith.subf %sub3A_210, %sub3A_211 : vector<112x112x64xf32>
    %mul3A_213 = arith.mulf %sub3A_212, %sub3A_212 : vector<112x112x64xf32>
    %reduce_sum3A_214 = arith.constant dense<0.000000e+00> : vector<112x112xf32>
    %reduce_sum3A_215 = vector.multi_reduction <add>, %mul3A_213, %reduce_sum3A_214 [2] : vector<112x112x64xf32> to vector<112x112xf32>
    %iota3A = tpu.iota {dimensions = array<i32: 0>} : vector<112x1xi32>
    %gt3A = arith.constant 0.000000e+00 : f32
    %gt3A_216 = vector.broadcast %gt3A : f32 to vector<112x1xf32>
    %gt3A_217 = arith.cmpf ogt, %broadcast_in_dim3A, %gt3A_216 : vector<112x1xf32>
    %get3A_218 = arith.constant 0 : index
    %get3A_219 = arith.constant 0 : index
    %get3A_220 = memref.load %arg3[%get3A_218, %get3A_219] : memref<1x1xi32, #tpu.memory_space<smem>>
    %lt3A = vector.broadcast %get3A_220 : i32 to vector<112x1xi32>
    %lt3A_221 = arith.cmpi slt, %iota3A, %lt3A : vector<112x1xi32>
    %and3A = arith.andi %gt3A_217, %lt3A_221 : vector<112x1xi1>
    %iota3A_222 = tpu.iota {dimensions = array<i32: 0>} : vector<112x112xi32>
    %iota3A_223 = tpu.iota {dimensions = array<i32: 1>} : vector<112x112xi32>
    %reshape3A = vector.shape_cast %and3A : vector<112x1xi1> to vector<1x112xi1>
    %and3A_224 = vector.broadcast %and3A : vector<112x1xi1> to vector<112x112xi1>
    %and3A_225 = vector.broadcast %reshape3A : vector<1x112xi1> to vector<112x112xi1>
    %and3A_226 = arith.andi %and3A_224, %and3A_225 : vector<112x112xi1>
    %ne3A = arith.cmpi ne, %iota3A_222, %iota3A_223 : vector<112x112xi32>
    %and3A_227 = arith.andi %and3A_226, %ne3A : vector<112x112xi1>
    %jit3A = arith.constant 0x7F800000 : f32
    %broadcast_in_dim3A_228 = vector.broadcast %jit3A : f32 to vector<112x112xf32>
    %select_n3A = arith.select %and3A_227, %reduce_sum3A_215, %broadcast_in_dim3A_228 : vector<112x112xi1>, vector<112x112xf32>
    %reduce_min3A = vector.shape_cast %select_n3A : vector<112x112xf32> to vector<1x112x112xf32>
    %reduce_min3A_229 = arith.constant dense<0x7F800000> : vector<1xf32>
    %reduce_min3A_230 = vector.multi_reduction <minimumf>, %reduce_min3A, %reduce_min3A_229 [1, 2] : vector<1x112x112xf32> to vector<1xf32>
    %reduce_min3A_231 = vector.shape_cast %reduce_min3A_230 : vector<1xf32> to vector<1x1x1xf32>
    %reduce_min3A_232 = vector.extract %reduce_min3A_231[0, 0, 0] : f32 from vector<1x1x1xf32>
    %div3A_233 = arith.constant 1.638400e+04 : f32
    %div3A_234 = arith.divf %sub3A, %div3A_233 : f32
    %min3A = arith.constant 1.000000e+02 : f32
    %min3A_235 = arith.minimumf %min3A, %reduce_min3A_232 : f32
    %sub3A_236 = arith.subf %div3A_234, %min3A_235 : f32
    %swap3A = arith.constant 0 : index
    %swap3A_237 = arith.constant 0 : index
    %swap3A_238 = memref.load %arg4[%swap3A, %swap3A_237] : memref<1x1xf32, #tpu.memory_space<smem>>
    memref.store %sub3A_236, %arg4[%swap3A, %swap3A_237] : memref<1x1xf32, #tpu.memory_space<smem>>
    return
  }
}

</mosaic_0001>

<sc_bundles>
// kernel: kernel.6.cloned.1.call-start
scs
__scs_entry_jumppad:
0x0: {  	(pc) =	sbr.rel $0x88, $3  }
0x1: {  	(tag) =	ssettag $0x0;
	lr =	simm.s32 $0x1  }
0x2: {  	[smem:$0x3F9E] =	sst lr;
	_ =	strace $0xD0000000  }
0x3: {  	_ = 	snop  }
0x4: {  	_ = 	snop  }
0x5: {  	_ = 	snop  }
0x6: {  	_ = 	snop  }
0x7: {  	_ = 	snop  }
__scs_overlays_trampoline_lowered:
0x8: {  	[smem:$0x3FAD] =	sst s0  }
0x9: {  	[smem:$0x3FAE] =	sst s1  }
0xa: {  	[smem:$0x3FAF] =	sst s2  }
0xb: {  	[smem:$0x3FB0] =	sst s3  }
0xc: {  	[smem:$0x3FB1] =	sst s4  }
0xd: {  	[smem:$0x3FB2] =	sst s5  }
0xe: {  	[smem:$0x3FB3] =	sst s6  }
0xf: {  	[smem:$0x3FB4] =	sst s7  }
0x10: {  	[smem:$0x3FB5] =	sst s8  }
0x11: {  	[smem:$0x3FB6] =	sst s9;
	s0 =	simm.s32 @!p0 $0x0  }
0x12: {  	s1 =	sld [smem:$0x3F9C];
	s0 =	simm.s32 @p0 $0x1  }
0x13: {  	[smem:$0x3FB7] =	sst s0;
	s0 =	simm.s32 @!p1 $0x0  }
0x14: {  	s2 =	sld [smem:$0x3F9B];
	s0 =	simm.s32 @p1 $0x1  }
0x15: {  	[smem:$0x3FB8] =	sst s0;
	s0 =	simm.s32 @!p2 $0x0  }
0x16: {  	s3 =	sld [smem:$0x3FDB];
	s0 =	simm.s32 @p2 $0x1  }
0x17: {  	s4 =	simm.s32 $0x1BF5;
	[smem:$0x3FBA] =	sst s0  }
0x18: {  	s0 =	sld [smem:$0x3F9D];
	_ =	swait.ge [sflag:s4], $0x0  }
0x19: {  	s7 =	sld [smem:$0x3F9E]  }
0x1a: {  	s8 =	sadd.s32 $0xFFFFE003, lr  }
0x1b: {  	s9 =	sadd.s32 $0xFFFFFEF7, lr;
	s5 =	simm.s32 $0xFFFFFFFF;
	p2 =	slt.u32 s8, $0xFFFFF086  }
0x1c: {  	p1 =	slt.u32 s9, $0xF7A;
	s5 =	simm.s32 @!p2 $0x0  }
0x1d: {  	s5 =	simm.s32 @p1 $0x1;
	p0 =	seq.s32 s7, s2  }
0x1e: {  	s7 =	smul.u32 @!p0 $0xF7A, s2;
	p2 =	seq.s32 @!p0 s5, $0x0  }
0x1f: {  	s9 =	smul.u32 $0xF7A, s1;
	s8 =	simm.s32 @!p0 $0x1BF5;
	p2 =	por !p2, p0  }
0x20: {  	[sflag:s8] =	ssyncset.s32 @!p0 $0xFFFFF086;
	s6 =	sadd.s32 @!p0 s3, s7;
	s7 =	simm.s32 @!p0 $0x108  }
0x21: {  	s3 =	sadd.s32 s3, s9;
	s6 =	sadd.s32 @!p0 $0x88, s6;
	s7 =	simm.s32 @p2 $0x1082  }
0x22: {  	[simem:s7], [sflag:s8] =	dma.local @!p0 [hbm:s6], $0xF7A  }
0x23: {  	s9 =	sor.u32 $0xD0000000, s2;
	s6 =	simm.s32 $0x108;
	_ =	swait.ge @!p0 [sflag:s8], $0x0  }
0x24: {  	s3 =	sadd.s32 $0x88, s3;
	s6 =	simm.s32 @!p1 $0x1082;
	[sflag:s4] =	ssyncset.s32 $0xFFFFF086  }
0x25: {  	[simem:s6], [sflag:s4] =	dma.local [hbm:s3], $0xF7A  }
0x26: {  	[smem:$0x3F9E] =	sst s1;
	(tag) =	ssettag s2;
	_ =	strace s9  }
0x27: {  	s1 =	sld [smem:$0x3FAE]  }
0x28: {  	s2 =	sld [smem:$0x3FAF]  }
0x29: {  	s4 =	sld [smem:$0x3FB1]  }
0x2a: {  	p0 =	seq.s32 s5, $0x0;
	s5 =	sld [smem:$0x3FB2]  }
0x2b: {  	s6 =	sld [smem:$0x3FB3]  }
0x2c: {  	s7 =	sld [smem:$0x3FB4]  }
0x2d: {  	s3 =	simm.s32 $0x108;
	s8 =	sld [smem:$0x3FB5]  }
0x2e: {  	s3 =	simm.s32 @!p0 $0x1082;
	s9 =	sld [smem:$0x3FB6]  }
0x2f: {  	lr =	sadd.s32 s0, s3;
	s0 =	sld [smem:$0x3FAD]  }
0x30: {  	s3 =	sld [smem:$0x3FB0]  }
0x31: {  	[smem:$0x3FB9] =	sst s10  }
0x32: {  	s10 =	sld [smem:$0x3FB7];
	_ =	sdelay $0x3  }
0x33: {  	p0 =	seq.s32 s10, $0x1;
	s10 =	sld [smem:$0x3FB9];
	_ =	sdelay $0x3  }
0x34: {  	[smem:$0x3FB9] =	sst s10  }
0x35: {  	s10 =	sld [smem:$0x3FB8];
	_ =	sdelay $0x3  }
0x36: {  	p1 =	seq.s32 s10, $0x1;
	s10 =	sld [smem:$0x3FB9];
	_ =	sdelay $0x3  }
0x37: {  	[smem:$0x3FB9] =	sst s10  }
0x38: {  	s10 =	sld [smem:$0x3FBA]  }
0x39: {  	_ = 	snop;
	(pc) =	sbr.ind lr, $3  }
0x3a: {  	_ = 	snop  }
0x3b: {  	_ = 	snop  }
0x3c: {  	p2 =	seq.s32 s10, $0x1;
	s10 =	sld [smem:$0x3FB9]  }
0x3d: {  	_ =	shalt  }
0x3e: {  	_ =	shalt  }
0x3f: {  	_ =	shalt  }
0x40: {  	_ =	shalt  }
0x41: {  	_ =	shalt  }
0x42: {  	_ =	shalt  }
0x43: {  	_ =	shalt  }
0x44: {  	_ =	shalt  }
0x45: {  	_ =	shalt  }
0x46: {  	_ =	shalt  }
0x47: {  	_ =	shalt  }
0x48: {  	_ =	shalt  }
0x49: {  	_ =	shalt  }
0x4a: {  	_ =	shalt  }
0x4b: {  	_ =	shalt  }
0x4c: {  	_ =	shalt  }
0x4d: {  	_ =	shalt  }
0x4e: {  	_ =	shalt  }
0x4f: {  	_ =	shalt  }
0x50: {  	_ =	shalt  }
0x51: {  	_ =	shalt  }
0x52: {  	_ =	shalt  }
0x53: {  	_ =	shalt  }
0x54: {  	_ =	shalt  }
0x55: {  	_ =	shalt  }
0x56: {  	_ =	shalt  }
0x57: {  	_ =	shalt  }
0x58: {  	_ =	shalt  }
0x59: {  	_ =	shalt  }
0x5a: {  	_ =	shalt  }
0x5b: {  	_ =	shalt  }
0x5c: {  	_ =	shalt  }
0x5d: {  	_ =	shalt  }
0x5e: {  	_ =	shalt  }
0x5f: {  	_ =	shalt  }
0x60: {  	_ =	shalt  }
0x61: {  	_ =	shalt  }
0x62: {  	_ =	shalt  }
0x63: {  	_ =	shalt  }
0x64: {  	_ =	shalt  }
0x65: {  	_ =	shalt  }
0x66: {  	_ =	shalt  }
0x67: {  	_ =	shalt  }
0x68: {  	_ =	shalt  }
0x69: {  	_ =	shalt  }
0x6a: {  	_ =	shalt  }
0x6b: {  	_ =	shalt  }
0x6c: {  	_ =	shalt  }
0x6d: {  	_ =	shalt  }
0x6e: {  	_ =	shalt  }
0x6f: {  	_ =	shalt  }
0x70: {  	_ =	shalt  }
0x71: {  	_ =	shalt  }
0x72: {  	_ =	shalt  }
0x73: {  	_ =	shalt  }
0x74: {  	_ =	shalt  }
0x75: {  	_ =	shalt  }
0x76: {  	_ =	shalt  }
0x77: {  	_ =	shalt  }
0x78: {  	_ =	shalt  }
0x79: {  	_ =	shalt  }
0x7a: {  	_ =	shalt  }
0x7b: {  	_ =	shalt  }
0x7c: {  	_ =	shalt  }
0x7d: {  	_ =	shalt  }
0x7e: {  	_ =	shalt  }
0x7f: {  	_ =	shalt  }
0x80: {  	_ =	shalt  }
0x81: {  	_ =	shalt  }
0x82: {  	_ =	shalt  }
0x83: {  	_ =	shalt  }
0x84: {  	_ =	shalt  }
0x85: {  	_ =	shalt  }
0x86: {  	_ =	shalt  }
0x87: {  	_ =	shalt  }
.Lfunc_end0:
.L_simem_size_0:
called_computation_lowered:
.L_overlay_start_0:
0x88: {  	s2 =	sld [smem:$0x3FD9]  }
0x89: {  	s3 =	sld [smem:$0x3FFE];
	_ =	sdelay $0x1  }
0x8a: {  	s1 =	srdreg.scid  }
0x8b: {  	s0 =	sand.u32 $0x1, s1  }
0x8c: {  	s16 =	sshll.u32 s0, $0xA;
	s2 =	sadd.s32 s3, s2  }
0x8d: {  	s2 =	sadd.s32 s2, s16  }
0x8e: {  	[smem:$0x3FC5] =	sst s2  }
0x8f: {  	_ = 	snop  }
0x90: {  	(tm) =	ssettm $0x1  }
0x91: {  	s17 =	sld [smem:$0x3FFB];
	_ =	sdelay $0x3  }
0x92: {  	_ =	strace s17  }
0x93: {  	s2 =	sld [smem:$0x3FFC];
	_ =	sdelay $0x3  }
0x94: {  	_ =	strace s2  }
0x95: {  	s2 =	sld [smem:$0x3FFD];
	_ =	sdelay $0x3  }
0x96: {  	_ =	strace s2  }
0x97: {  	_ =	strace $0x8FFFFFFF  }
0x98: {  	s18 =	sld [smem:$0x3FDB];
	_ =	sdelay $0x1  }
0x99: {  	s19 =	simm.s32 $_scs_section_size  }
0x9a: {  	s4 =	simm.s32 $_size__tile_overlayer_lowered;
	s5 =	simm.s32 $_tile_overlayer_lowered  }
0x9b: {  	s22 =	simm.s32 $0x1BFF;
	s21 =	sshll.u32 s5, $0x1;
	s2 =	sadd.s32 s19, s18  }
0x9c: {  	s6 =	simm.s32 $0x0;
	s20 =	sshll.u32 s4, $0x1;
	s4 =	sadd.s32 s21, s2  }
0x9d: {  	[timem:s6], [sflag:s22] =	dma.local [hbm:s4], s20  }
0x9e: {  	_ =	swait.ge [sflag:s22], s20  }
0x9f: {  	s3 =	ssub.s32 $0x0, s20;
	[sflag:s22] =	ssyncset.done $0x0  }
0xa0: {  	[sflag:s22] =	ssyncadd.s32 s3;
	_ =	sdelay $0x1  }
0xa1: {  	s23 =	simm.s32 $0x1B8B  }
0xa2: {  	_ =	swait.ge [sflag:s23], $0x1  }
0xa3: {  	[sflag:s23] =	ssyncset.done $0x0  }
0xa4: {  	s25 =	simm.s32 $0x1B8E;
	s24 =	sld [smem:$0x3FFE];
	[sflag:s23] =	ssyncadd.s32 $0xFFFFFFFF  }
0xa5: {  	s26 =	simm.s32 $execute0_lowered;
	[smem:$0x3FD2] =	sst s25  }
0xa6: {  	s4 =	sshll.u32 s26, $0x1;
	_ =	strace $0x80000046;
	[dreg:$0x1] =	wrdreg $0xFFFFFFFF  }
0xa7: {  	s28 =	simm.s32 $_size_execute0_lowered;
	s2 =	sadd.s32 s2, s4;
	[dreg:$0x0] =	wrdreg $0x0  }
0xa8: {  	s4 =	sshll.u32 s28, $0x1;
	[dreg:$0x2] =	wrdreg s2  }
0xa9: {  	[dreg:$0x3] =	wrdreg s4  }
0xaa: {  	[dreg:$0x4] =	wrdreg $0xC0  }
0xab: {  	_ =	task [dreg:s6], $0x5FFFF  }
0xac: {  	[dreg:$0x1] =	wrdreg $0xFFFFFFFF  }
0xad: {  	[dreg:$0x0] =	wrdreg $0x60  }
0xae: {  	[dreg:$0x2] =	wrdreg s24  }
0xaf: {  	[dreg:$0x3] =	wrdreg $0x9  }
0xb0: {  	_ =	task.clear_ibuf [dreg:s6], $0x4FFFF;
	_ =	strace $0x90000046  }
0xb1: {  	s29 =	simm.s32 $0x9;
	_ =	strace $0x80000048  }
0xb2: {  	_ =	swait.ge [sflag:s29], $0x1  }
0xb3: {  	[sflag:s29] =	ssyncadd.s32 $0xFFFFFFFF  }
0xb4: {  	_ =	strace $0x90000048  }
0xb5: {  	_ =	sfence  }
0xb6: {  	s30 =	sld [smem:$0x0];
	_ =	sdelay $0x2  }
0xb7: {  	s31 =	sshll.u32 s1, $0xD;
	s1 =	sshrl.u32 s1, $0x2  }
0xb8: {  	s3 =	sand.u32 $0x4000, s31;
	s1 =	sadd.s32 s1, s30  }
0xb9: {  	s0 =	sor.u32 s3, s0;
	s1 =	sshll.u32 s1, $0x11  }
0xba: {  	s0 =	sor.u32 s1, s0  }
0xbb: {  	s0 =	sadd.s32 $0x8F2B, s0  }
0xbc: {  	[sflag:s0] =	ssyncadd.remote.s32 $0x1  }
0xbd: {  	_ =	sfence.sel $0xFFFF  }
0xbe: {  	[dreg:$0x0] =	wrdreg $0xFFFFFFFF;
	(pc) =	sbr.abs _section_cstart, $3  }
0xbf: {  	[dreg:$0x1] =	wrdreg $0xFFFFFFFF  }
0xc0: {  	_ =	task.clear_ibuf [dreg:s6], $0x2FFFF;
	_ =	strace $0x9FFFFFFF  }
0xc1: {  	(tm) =	ssettm $0x7FFFFFFF  }
tec
execute0_lowered:
.L_overlay_start_1:
0x0: {  	(tag) =	ssettag $0x1  }
0x1: {  	s0 =	srdreg.scid  }
0x2: {  	s4 =	rddreg [dreg:$0x0];
	s1 =	stileid.u32;
	s2 =	simm.s32 $0x0  }
0x3: {  	s9 =	simm.s32 $0x10000;
	s10 =	simm.s32 $0x2;
	s11 =	simm.s32 $0x1  }
0x4: {  	s12 =	simm.s32 $0x10200;
	s3 =	sand.u32 $0x1, s0;
	s0 =	rddreg [dreg:$0x1]  }
0x5: {  	s13 =	simm.s32 $0x0;
	[smem:$0x7FF] =	sst s2;
	s7 =	sshll.u32 s1, $0x4  }
0x6: {  	s5 =	sshll.u32 s3, $0x4;
	_ =	strace $0x80000047;
	s3 =	ssub.s32 $0x2, s3  }
0x7: {  	s7 =	sand.u32 $0x70, s7;
	s5 =	sor.u32 s1, s5;
	s30 =	sshrl.u32 s3, $0x1  }
0x8: {  	s6 =	sshll.u32 s5, $0xD;
	s8 =	smul.u32 $0x700, s5;
	s5 =	sshll.u32 s5, $0x6  }
0x9: {  	s7 =	sadd.s32 s7, s4;
	s31 =	ssub.s32 s3, s30;
	s5 =	sand.u32 $0x600, s5  }
0xa: {  	s6 =	sadd.s32 s6, s4;
	s8 =	sadd.s32 s8, s4;
	s5 =	sadd.s32 s5, s7  }
0xb: {  	v0 =	vimm.f32 $0.0e+00;
	v1 =	vlaneseq.u32;
	s3 =	sadd.s32 $0xA00, s6;
	s6 =	smax.u32 s31, $0x1;
	s7 =	simm.s32 $0x80  }
0xc: {  	v2 =	vor.u32 $0x10, v1;
	v3 =	vor.u32 $0x20, v1;
	v4 =	vor.u32 $0x30, v1;
	s4 =	sadd.s32 $0x40A00, s5;
	s5 =	sadd.s32 $0x41200, s8;
	s8 =	simm.s32 $0x400  }
.LBB2_1:
0xd: {  	[tilespmem:s2], [sflag:$0x1] =	stream.linear.gather [hbm4b:s3+s2], $0x10000, $0x38;
	[tilespmem:$0x13A00] =	vst v63  }
0xe: {  	_ = 	snop  }
0xf: {  	[tilespmem:s9], [sflag:$0x2] =	stream.strided.gather [hbm4b:s4+s7], $0x200, s8, s7, $0x38;
	[tilespmem:$0x13A00] =	vst v63  }
0x10: {  	_ =	swait.ge [sflag:s10], $0x200  }
0x11: {  	[sflag:s10] =	ssyncset.done $0x0  }
0x12: {  	s15 =	simm.s32 $0x200;
	s14 =	simm.s32 $0x0;
	[sflag:s10] =	ssyncadd.s32 $0xFFFFFE00  }
.LBB2_2:
0x13: {  	p0 =	sne.s32 s15, $0xDE00;
	[tilespmem:s14+$0x10230] =	vst v0;
	s16 =	smov.u32 s15;
	s15 =	sadd.s32 $0x200, s15  }
.Ltmp0:
0x14: {  	[tilespmem:s14+$0x10220] =	vst v0;
	(pc) =	sbr.rel @p0 .LBB2_2-.Ltmp0, $3  }
0x15: {  	[tilespmem:s14+$0x10200] =	vst v0  }
0x16: {  	[tilespmem:s14+$0x10210] =	vst v0;
	_ =	sdelay $0x1  }
0x17: {  	s14 =	sshra.s32 s16, $0x2  }
0x18: {  	s15 =	simm.s32 $0x0  }
0x19: {  	v5 =	vmov s15  }
0x1a: {  	[tilespmem:s14+$0x10230] =	vst v0;
	v6 =	vand.u32 $0xFFFFFFFE, v5  }
0x1b: {  	[tilespmem:s14+$0x10220] =	vst v0;
	v6 =	vbroadcast v6, $0x0  }
0x1c: {  	[tilespmem:s14+$0x10200] =	vst v0  }
0x1d: {  	[tilespmem:s14+$0x10210] =	vst v0  }
0x1e: {  	_ =	swait.ge [sflag:s11], $0x10000  }
0x1f: {  	[sflag:s11] =	ssyncset.done $0x0  }
0x20: {  	[sflag:s11] =	ssyncadd.s32 $0xFFFF0000  }
0x21: {  	v6 =	vld.idx.msk [tilespmem:v6+s9+$0x0], $0xffff;
	_ =	sdelay $0x4  }
0x22: {  	s15 =	simm.s32 $0x80;
	v6 =	vshll.u32 v6, $0x7  }
0x23: {  	v7 =	vld [tilespmem:s15+$0xFFFFFF80];
	v8 =	vor.u32 v1, v6;
	_ =	sdelay $0x4  }
0x24: {  	[tilespmem:v8+s12+$0x0] =	vst.idx.add.f32.msk $0xffff, v7  }
0x25: {  	v8 =	vor.u32 v2, v6;
	v7 =	vld [tilespmem:s15+$0xFFFFFF90];
	_ =	sdelay $0x4  }
0x26: {  	[tilespmem:v8+s12+$0x0] =	vst.idx.add.f32.msk $0xffff, v7  }
0x27: {  	v8 =	vor.u32 v3, v6;
	v7 =	vld [tilespmem:s15+$0xFFFFFFA0];
	_ =	sdelay $0x4  }
0x28: {  	[tilespmem:v8+s12+$0x0] =	vst.idx.add.f32.msk $0xffff, v7  }
0x29: {  	s31 =	simm.s32 $0x1;
	v8 =	vor.u32 v4, v6;
	v7 =	vld [tilespmem:s15+$0xFFFFFFB0]  }
0x2a: {  	v6 =	vmov s31;
	_ =	sdelay $0x3  }
0x2b: {  	[tilespmem:v8+s12+$0x0] =	vst.idx.add.f32.msk $0xffff, v7  }
0x2c: {  	v7 =	vld.idx.msk [tilespmem:v6+s9+$0x0], $0xffff;
	_ =	sdelay $0x4  }
0x2d: {  	v9 =	vshll.u32 v7, $0x7  }
0x2e: {  	v7 =	vld [tilespmem:s15+$0x0];
	v8 =	vor.u32 v1, v9;
	_ =	sdelay $0x4  }
0x2f: {  	[tilespmem:v8+s12+$0x0] =	vst.idx.add.f32.msk $0xffff, v7  }
0x30: {  	v8 =	vor.u32 v2, v9;
	v7 =	vld [tilespmem:s15+$0x10];
	_ =	sdelay $0x4  }
0x31: {  	[tilespmem:v8+s12+$0x0] =	vst.idx.add.f32.msk $0xffff, v7  }
0x32: {  	v8 =	vor.u32 v3, v9;
	v7 =	vld [tilespmem:s15+$0x20];
	_ =	sdelay $0x2  }
0x33: {  	s14 =	simm.s32 $0x2  }
0x34: {  	v10 =	vmov s14  }
0x35: {  	v10 =	vand.u32 $0xFFFFFFFE, v10;
	[tilespmem:v8+s12+$0x0] =	vst.idx.add.f32.msk $0xffff, v7  }
0x36: {  	v9 =	vor.u32 v4, v9;
	v7 =	vbroadcast v10, $0x0;
	v8 =	vld [tilespmem:s15+$0x30];
	_ =	sdelay $0x2  }
0x37: {  	s17 =	simm.s32 $0x4;
	s16 =	simm.s32 $0x2  }
.LBB2_4:
0x38: {  	p0 =	slt.u32 s17, $0x7E  }
0x39: {  	[tilespmem:v9+s12+$0x0] =	vst.idx.add.f32.msk $0xffff, v8;
	s15 =	sadd.s32 $0x100, s15;
	s18 =	smov.u32 s17;
	s17 =	sadd.s32 $0x2, s17  }
0x3a: {  	v7 =	vld.idx.msk [tilespmem:v7+s9+$0x0], $0xffff;
	_ =	sdelay $0x5  }
0x3b: {  	v7 =	vshll.u32 v7, $0x7  }
0x3c: {  	v9 =	vor.u32 v1, v7;
	v8 =	vld [tilespmem:s15+$0xFFFFFF80];
	_ =	sdelay $0x4  }
0x3d: {  	[tilespmem:v9+s12+$0x0] =	vst.idx.add.f32.msk $0xffff, v8  }
0x3e: {  	v9 =	vor.u32 v2, v7;
	v8 =	vld [tilespmem:s15+$0xFFFFFF90];
	_ =	sdelay $0x4  }
0x3f: {  	[tilespmem:v9+s12+$0x0] =	vst.idx.add.f32.msk $0xffff, v8  }
0x40: {  	v9 =	vor.u32 v3, v7;
	v8 =	vld [tilespmem:s15+$0xFFFFFFA0];
	_ =	sdelay $0x4  }
0x41: {  	[tilespmem:v9+s12+$0x0] =	vst.idx.add.f32.msk $0xffff, v8  }
0x42: {  	s19 =	sadd.s32 $0x1, s16;
	s16 =	smov.u32 s18;
	v7 =	vor.u32 v4, v7;
	v8 =	vld [tilespmem:s15+$0xFFFFFFB0]  }
0x43: {  	v9 =	vmov s19;
	_ =	sdelay $0x3  }
0x44: {  	[tilespmem:v7+s12+$0x0] =	vst.idx.add.f32.msk $0xffff, v8  }
0x45: {  	v7 =	vld.idx.msk [tilespmem:v9+s9+$0x0], $0xffff;
	_ =	sdelay $0x5  }
0x46: {  	v9 =	vshll.u32 v7, $0x7  }
0x47: {  	v8 =	vor.u32 v1, v9;
	v7 =	vld [tilespmem:s15+$0x0];
	_ =	sdelay $0x4  }
0x48: {  	[tilespmem:v8+s12+$0x0] =	vst.idx.add.f32.msk $0xffff, v7  }
0x49: {  	v8 =	vor.u32 v2, v9;
	v7 =	vld [tilespmem:s15+$0x10];
	_ =	sdelay $0x4  }
0x4a: {  	[tilespmem:v8+s12+$0x0] =	vst.idx.add.f32.msk $0xffff, v7  }
0x4b: {  	v8 =	vor.u32 v3, v9;
	v7 =	vld [tilespmem:s15+$0x20];
	_ =	sdelay $0x3  }
0x4c: {  	v10 =	vmov s16  }
0x4d: {  	v10 =	vand.u32 $0xFFFFFFFE, v10;
	[tilespmem:v8+s12+$0x0] =	vst.idx.add.f32.msk $0xffff, v7  }
.Ltmp1:
0x4e: {  	v9 =	vor.u32 v4, v9;
	v7 =	vbroadcast v10, $0x0;
	v8 =	vld [tilespmem:s15+$0x30];
	(pc) =	sbr.rel @p0 .LBB2_4-.Ltmp1, $1  }
0x4f: {  	_ =	sdelay $0x3  }
0x50: {  	_ =	sdelay $0x3  }
0x51: {  	[tilespmem:v9+s12+$0x0] =	vst.idx.add.f32.msk $0xffff, v8  }
0x52: {  	v7 =	vld.idx.msk [tilespmem:v7+s9+$0x0], $0xffff;
	_ =	sdelay $0x4  }
0x53: {  	s15 =	sadd.s32 $0x100, s15;
	v7 =	vshll.u32 v7, $0x7  }
0x54: {  	v8 =	vld [tilespmem:s15+$0xFFFFFF80];
	v57 =	vor.u32 v1, v7;
	_ =	sdelay $0x4  }
0x55: {  	[tilespmem:v57+s12+$0x0] =	vst.idx.add.f32.msk $0xffff, v8  }
0x56: {  	v58 =	vor.u32 v2, v7;
	v8 =	vld [tilespmem:s15+$0xFFFFFF90];
	_ =	sdelay $0x4  }
0x57: {  	[tilespmem:v58+s12+$0x0] =	vst.idx.add.f32.msk $0xffff, v8  }
0x58: {  	v59 =	vor.u32 v3, v7;
	v8 =	vld [tilespmem:s15+$0xFFFFFFA0];
	_ =	sdelay $0x4  }
0x59: {  	[tilespmem:v59+s12+$0x0] =	vst.idx.add.f32.msk $0xffff, v8  }
0x5a: {  	s16 =	sadd.s32 $0x1, s16;
	v7 =	vor.u32 v4, v7;
	v8 =	vld [tilespmem:s15+$0xFFFFFFB0]  }
0x5b: {  	v60 =	vmov s16;
	_ =	sdelay $0x3  }
0x5c: {  	[tilespmem:v7+s12+$0x0] =	vst.idx.add.f32.msk $0xffff, v8  }
0x5d: {  	v7 =	vld.idx.msk [tilespmem:v60+s9+$0x0], $0xffff;
	_ =	sdelay $0x4  }
0x5e: {  	v7 =	vshll.u32 v7, $0x7  }
0x5f: {  	v8 =	vld [tilespmem:s15+$0x0];
	v61 =	vor.u32 v1, v7;
	_ =	sdelay $0x4  }
0x60: {  	[tilespmem:v61+s12+$0x0] =	vst.idx.add.f32.msk $0xffff, v8  }
0x61: {  	v62 =	vor.u32 v2, v7;
	v8 =	vld [tilespmem:s15+$0x10];
	_ =	sdelay $0x4  }
0x62: {  	[tilespmem:v62+s12+$0x0] =	vst.idx.add.f32.msk $0xffff, v8  }
0x63: {  	v63 =	vor.u32 v3, v7;
	v8 =	vld [tilespmem:s15+$0x20];
	_ =	sdelay $0x3  }
0x64: {  	v5 =	vadd.s32 $0x80, v5  }
0x65: {  	v5 =	vand.u32 $0xFFFFFFFE, v5;
	[tilespmem:v63+s12+$0x0] =	vst.idx.add.f32.msk $0xffff, v8  }
0x66: {  	v5 =	vbroadcast v5, $0x0;
	v7 =	vor.u32 v4, v7;
	v8 =	vld [tilespmem:s15+$0x30];
	_ =	sdelay $0x4  }
0x67: {  	[tilespmem:v7+s12+$0x0] =	vst.idx.add.f32.msk $0xffff, v8  }
0x68: {  	v5 =	vld.idx.msk [tilespmem:v5+s9+$0x0], $0xffff;
	_ =	sdelay $0x4  }
0x69: {  	s15 =	simm.s32 $0x40B0;
	v5 =	vshll.u32 v5, $0x7  }
0x6a: {  	v7 =	vld [tilespmem:s15+$0xFFFFFF50];
	v8 =	vor.u32 v1, v5;
	_ =	sdelay $0x4  }
0x6b: {  	[tilespmem:v8+s12+$0x0] =	vst.idx.add.f32.msk $0xffff, v7  }
0x6c: {  	v8 =	vor.u32 v2, v5;
	v7 =	vld [tilespmem:s15+$0xFFFFFF60];
	_ =	sdelay $0x4  }
0x6d: {  	[tilespmem:v8+s12+$0x0] =	vst.idx.add.f32.msk $0xffff, v7  }
0x6e: {  	v8 =	vor.u32 v3, v5;
	v7 =	vld [tilespmem:s15+$0xFFFFFF70];
	_ =	sdelay $0x4  }
0x6f: {  	v6 =	vadd.s32 $0x80, v6;
	[tilespmem:v8+s12+$0x0] =	vst.idx.add.f32.msk $0xffff, v7  }
0x70: {  	v6 =	vbroadcast v6, $0x0;
	v5 =	vor.u32 v4, v5;
	v7 =	vld [tilespmem:s15+$0xFFFFFF80];
	_ =	sdelay $0x4  }
0x71: {  	[tilespmem:v5+s12+$0x0] =	vst.idx.add.f32.msk $0xffff, v7  }
0x72: {  	v5 =	vld.idx.msk [tilespmem:v6+s9+$0x0], $0xffff;
	_ =	sdelay $0x4  }
0x73: {  	v7 =	vshll.u32 v5, $0x7  }
0x74: {  	v5 =	vld [tilespmem:s15+$0xFFFFFFD0];
	v6 =	vor.u32 v1, v7;
	_ =	sdelay $0x4  }
0x75: {  	[tilespmem:v6+s12+$0x0] =	vst.idx.add.f32.msk $0xffff, v5  }
0x76: {  	v6 =	vor.u32 v2, v7;
	v5 =	vld [tilespmem:s15+$0xFFFFFFE0];
	_ =	sdelay $0x4  }
0x77: {  	[tilespmem:v6+s12+$0x0] =	vst.idx.add.f32.msk $0xffff, v5  }
0x78: {  	v6 =	vor.u32 v3, v7;
	v5 =	vld [tilespmem:s15+$0xFFFFFFF0];
	_ =	sdelay $0x2  }
0x79: {  	v8 =	vmov s14  }
0x7a: {  	v8 =	vadd.s32 $0x80, v8  }
0x7b: {  	v8 =	vand.u32 $0xFFFFFFFE, v8;
	[tilespmem:v6+s12+$0x0] =	vst.idx.add.f32.msk $0xffff, v5  }
0x7c: {  	v7 =	vor.u32 v4, v7;
	v5 =	vbroadcast v8, $0x0;
	v6 =	vld [tilespmem:s15+$0x0];
	_ =	sdelay $0x2  }
0x7d: {  	s16 =	simm.s32 $0x4  }
.LBB2_6:
0x7e: {  	p0 =	slt.u32 s16, $0x7E  }
0x7f: {  	[tilespmem:v7+s12+$0x0] =	vst.idx.add.f32.msk $0xffff, v6;
	s15 =	sadd.s32 $0x100, s15;
	s17 =	smov.u32 s16;
	s16 =	sadd.s32 $0x2, s16  }
0x80: {  	v5 =	vld.idx.msk [tilespmem:v5+s9+$0x0], $0xffff;
	_ =	sdelay $0x5  }
0x81: {  	v5 =	vshll.u32 v5, $0x7  }
0x82: {  	v7 =	vor.u32 v1, v5;
	v6 =	vld [tilespmem:s15+$0xFFFFFF50];
	_ =	sdelay $0x4  }
0x83: {  	[tilespmem:v7+s12+$0x0] =	vst.idx.add.f32.msk $0xffff, v6  }
0x84: {  	v7 =	vor.u32 v2, v5;
	v6 =	vld [tilespmem:s15+$0xFFFFFF60];
	_ =	sdelay $0x4  }
0x85: {  	[tilespmem:v7+s12+$0x0] =	vst.idx.add.f32.msk $0xffff, v6  }
0x86: {  	v7 =	vor.u32 v3, v5;
	v6 =	vld [tilespmem:s15+$0xFFFFFF70];
	_ =	sdelay $0x2  }
0x87: {  	s18 =	sadd.s32 $0x1, s14;
	s14 =	smov.u32 s17  }
0x88: {  	v8 =	vmov s18  }
0x89: {  	[tilespmem:v7+s12+$0x0] =	vst.idx.add.f32.msk $0xffff, v6;
	v6 =	vadd.s32 $0x80, v8  }
0x8a: {  	v5 =	vor.u32 v4, v5;
	v7 =	vld [tilespmem:s15+$0xFFFFFF80];
	v6 =	vbroadcast v6, $0x0;
	_ =	sdelay $0x4  }
0x8b: {  	[tilespmem:v5+s12+$0x0] =	vst.idx.add.f32.msk $0xffff, v7  }
0x8c: {  	v5 =	vld.idx.msk [tilespmem:v6+s9+$0x0], $0xffff;
	_ =	sdelay $0x5  }
0x8d: {  	v7 =	vshll.u32 v5, $0x7  }
0x8e: {  	v6 =	vor.u32 v1, v7;
	v5 =	vld [tilespmem:s15+$0xFFFFFFD0];
	_ =	sdelay $0x4  }
0x8f: {  	[tilespmem:v6+s12+$0x0] =	vst.idx.add.f32.msk $0xffff, v5  }
0x90: {  	v6 =	vor.u32 v2, v7;
	v5 =	vld [tilespmem:s15+$0xFFFFFFE0];
	_ =	sdelay $0x4  }
0x91: {  	[tilespmem:v6+s12+$0x0] =	vst.idx.add.f32.msk $0xffff, v5  }
0x92: {  	v6 =	vor.u32 v3, v7;
	v5 =	vld [tilespmem:s15+$0xFFFFFFF0];
	_ =	sdelay $0x2  }
0x93: {  	v8 =	vmov s14  }
0x94: {  	v8 =	vadd.s32 $0x80, v8  }
0x95: {  	v8 =	vand.u32 $0xFFFFFFFE, v8;
	[tilespmem:v6+s12+$0x0] =	vst.idx.add.f32.msk $0xffff, v5  }
.Ltmp2:
0x96: {  	v7 =	vor.u32 v4, v7;
	v5 =	vbroadcast v8, $0x0;
	v6 =	vld [tilespmem:s15+$0x0];
	(pc) =	sbr.rel @p0 .LBB2_6-.Ltmp2, $1  }
0x97: {  	_ =	sdelay $0x3  }
0x98: {  	_ =	sdelay $0x3  }
0x99: {  	[tilespmem:v7+s12+$0x0] =	vst.idx.add.f32.msk $0xffff, v6  }
0x9a: {  	v5 =	vld.idx.msk [tilespmem:v5+s9+$0x0], $0xffff;
	_ =	sdelay $0x4  }
0x9b: {  	s15 =	sadd.s32 $0x100, s15;
	v5 =	vshll.u32 v5, $0x7  }
0x9c: {  	v6 =	vld [tilespmem:s15+$0xFFFFFF50];
	v7 =	vor.u32 v1, v5;
	_ =	sdelay $0x4  }
0x9d: {  	[tilespmem:v7+s12+$0x0] =	vst.idx.add.f32.msk $0xffff, v6  }
0x9e: {  	v7 =	vor.u32 v2, v5;
	v6 =	vld [tilespmem:s15+$0xFFFFFF60];
	_ =	sdelay $0x4  }
0x9f: {  	[tilespmem:v7+s12+$0x0] =	vst.idx.add.f32.msk $0xffff, v6  }
0xa0: {  	v7 =	vor.u32 v3, v5;
	v6 =	vld [tilespmem:s15+$0xFFFFFF70];
	_ =	sdelay $0x2  }
0xa1: {  	s14 =	sadd.s32 $0x1, s14  }
0xa2: {  	v8 =	vmov s14  }
0xa3: {  	[tilespmem:v7+s12+$0x0] =	vst.idx.add.f32.msk $0xffff, v6;
	v6 =	vadd.s32 $0x80, v8  }
0xa4: {  	v5 =	vor.u32 v4, v5;
	v7 =	vld [tilespmem:s15+$0xFFFFFF80];
	v6 =	vbroadcast v6, $0x0;
	_ =	sdelay $0x4  }
0xa5: {  	[tilespmem:v5+s12+$0x0] =	vst.idx.add.f32.msk $0xffff, v7  }
0xa6: {  	v5 =	vld.idx.msk [tilespmem:v6+s9+$0x0], $0xffff;
	_ =	sdelay $0x4  }
0xa7: {  	v5 =	vshll.u32 v5, $0x7  }
0xa8: {  	v6 =	vld [tilespmem:s15+$0xFFFFFFD0];
	v7 =	vor.u32 v1, v5;
	_ =	sdelay $0x4  }
0xa9: {  	[tilespmem:v7+s12+$0x0] =	vst.idx.add.f32.msk $0xffff, v6  }
0xaa: {  	v7 =	vor.u32 v2, v5;
	v6 =	vld [tilespmem:s15+$0xFFFFFFE0];
	_ =	sdelay $0x4  }
0xab: {  	[tilespmem:v7+s12+$0x0] =	vst.idx.add.f32.msk $0xffff, v6  }
0xac: {  	v7 =	vor.u32 v3, v5;
	v6 =	vld [tilespmem:s15+$0xFFFFFFF0];
	_ =	sdelay $0x4  }
0xad: {  	[tilespmem:v7+s12+$0x0] =	vst.idx.add.f32.msk $0xffff, v6  }
0xae: {  	p1 =	por $0x1, $0x1;
	v7 =	vor.u32 v4, v5;
	v6 =	vld [tilespmem:s15+$0x0]  }
.Ltmp3:
0xaf: {  	s15 =	simm.s32 $0x0;
	(pc) =	sbr.rel @!p1 .LBB2_8-.Ltmp3, $4  }
0xb0: {  	v5 =	vmov s15  }
0xb1: {  	v8 =	vadd.s32 $0x100, v5  }
0xb2: {  	v8 =	vand.u32 $0xFFFFFFFE, v8  }
0xb3: {  	s16 =	simm.s32 $0x80B0;
	p0 =	por $0x0, $0x0;
	s14 =	simm.s32 $0x2;
	[tilespmem:v7+s12+$0x0] =	vst.idx.add.f32.msk $0xffff, v6;
	v6 =	vbroadcast v8, $0x0  }
0xb4: {  	_ =	sdelay $0x4  }
0xb5: {  	v6 =	vld.idx.msk [tilespmem:v6+s9+$0x0], $0xffff;
	_ =	sdelay $0x4  }
0xb6: {  	v6 =	vshll.u32 v6, $0x7  }
0xb7: {  	v7 =	vld [tilespmem:s16+$0xFFFFFF50];
	v8 =	vor.u32 v1, v6;
	_ =	sdelay $0x4  }
0xb8: {  	[tilespmem:v8+s12+$0x0] =	vst.idx.add.f32.msk $0xffff, v7  }
0xb9: {  	v8 =	vor.u32 v2, v6;
	v7 =	vld [tilespmem:s16+$0xFFFFFF60];
	_ =	sdelay $0x4  }
0xba: {  	[tilespmem:v8+s12+$0x0] =	vst.idx.add.f32.msk $0xffff, v7  }
0xbb: {  	v8 =	vor.u32 v3, v6;
	v7 =	vld [tilespmem:s16+$0xFFFFFF70];
	_ =	sdelay $0x2  }
0xbc: {  	s17 =	simm.s32 $0x1  }
0xbd: {  	v9 =	vmov s17  }
0xbe: {  	[tilespmem:v8+s12+$0x0] =	vst.idx.add.f32.msk $0xffff, v7;
	v7 =	vadd.s32 $0x100, v9  }
0xbf: {  	v6 =	vor.u32 v4, v6;
	v8 =	vld [tilespmem:s16+$0xFFFFFF80];
	v7 =	vbroadcast v7, $0x0;
	_ =	sdelay $0x4  }
0xc0: {  	[tilespmem:v6+s12+$0x0] =	vst.idx.add.f32.msk $0xffff, v8  }
0xc1: {  	v6 =	vld.idx.msk [tilespmem:v7+s9+$0x0], $0xffff;
	_ =	sdelay $0x4  }
0xc2: {  	v8 =	vshll.u32 v6, $0x7  }
0xc3: {  	v6 =	vld [tilespmem:s16+$0xFFFFFFD0];
	v7 =	vor.u32 v1, v8;
	_ =	sdelay $0x4  }
0xc4: {  	[tilespmem:v7+s12+$0x0] =	vst.idx.add.f32.msk $0xffff, v6  }
0xc5: {  	v7 =	vor.u32 v2, v8;
	v6 =	vld [tilespmem:s16+$0xFFFFFFE0];
	_ =	sdelay $0x4  }
0xc6: {  	[tilespmem:v7+s12+$0x0] =	vst.idx.add.f32.msk $0xffff, v6  }
0xc7: {  	v7 =	vor.u32 v3, v8;
	v6 =	vld [tilespmem:s16+$0xFFFFFFF0];
	_ =	sdelay $0x2  }
0xc8: {  	v9 =	vmov s14  }
0xc9: {  	p3 =	por $0x1, $0x1;
	v9 =	vadd.s32 $0x100, v9  }
.Ltmp4:
0xca: {  	v9 =	vand.u32 $0xFFFFFFFE, v9;
	[tilespmem:v7+s12+$0x0] =	vst.idx.add.f32.msk $0xffff, v6;
	(pc) =	sbr.rel @!p3 .LBB2_10-.Ltmp4, $3  }
0xcb: {  	v8 =	vor.u32 v4, v8;
	v6 =	vbroadcast v9, $0x0;
	v7 =	vld [tilespmem:s16+$0x0];
	_ =	sdelay $0x1  }
0xcc: {  	s19 =	simm.s32 $0x4  }
0xcd: {  	p2 =	por $0x1, $0x1;
	s18 =	simm.s32 $0x80B0;
	s17 =	simm.s32 $0x2  }
.LBB2_11:
0xce: {  	p3 =	slt.u32 s19, $0x7E  }
0xcf: {  	[tilespmem:v8+s12+$0x0] =	vst.idx.add.f32.msk $0xffff, v7;
	s18 =	sadd.s32 $0x100, s18;
	s20 =	smov.u32 s19;
	s19 =	sadd.s32 $0x2, s19  }
0xd0: {  	v6 =	vld.idx.msk [tilespmem:v6+s9+$0x0], $0xffff;
	_ =	sdelay $0x5  }
0xd1: {  	v6 =	vshll.u32 v6, $0x7  }
0xd2: {  	v8 =	vor.u32 v1, v6;
	v7 =	vld [tilespmem:s18+$0xFFFFFF50];
	_ =	sdelay $0x4  }
0xd3: {  	[tilespmem:v8+s12+$0x0] =	vst.idx.add.f32.msk $0xffff, v7  }
0xd4: {  	v8 =	vor.u32 v2, v6;
	v7 =	vld [tilespmem:s18+$0xFFFFFF60];
	_ =	sdelay $0x4  }
0xd5: {  	[tilespmem:v8+s12+$0x0] =	vst.idx.add.f32.msk $0xffff, v7  }
0xd6: {  	v8 =	vor.u32 v3, v6;
	v7 =	vld [tilespmem:s18+$0xFFFFFF70];
	_ =	sdelay $0x2  }
0xd7: {  	s21 =	sadd.s32 $0x1, s17;
	s17 =	smov.u32 s20  }
0xd8: {  	v9 =	vmov s21  }
0xd9: {  	[tilespmem:v8+s12+$0x0] =	vst.idx.add.f32.msk $0xffff, v7;
	v7 =	vadd.s32 $0x100, v9  }
0xda: {  	v6 =	vor.u32 v4, v6;
	v8 =	vld [tilespmem:s18+$0xFFFFFF80];
	v7 =	vbroadcast v7, $0x0;
	_ =	sdelay $0x4  }
0xdb: {  	[tilespmem:v6+s12+$0x0] =	vst.idx.add.f32.msk $0xffff, v8  }
0xdc: {  	v6 =	vld.idx.msk [tilespmem:v7+s9+$0x0], $0xffff;
	_ =	sdelay $0x5  }
0xdd: {  	v8 =	vshll.u32 v6, $0x7  }
0xde: {  	v7 =	vor.u32 v1, v8;
	v6 =	vld [tilespmem:s18+$0xFFFFFFD0];
	_ =	sdelay $0x4  }
0xdf: {  	[tilespmem:v7+s12+$0x0] =	vst.idx.add.f32.msk $0xffff, v6  }
0xe0: {  	v7 =	vor.u32 v2, v8;
	v6 =	vld [tilespmem:s18+$0xFFFFFFE0];
	_ =	sdelay $0x4  }
0xe1: {  	[tilespmem:v7+s12+$0x0] =	vst.idx.add.f32.msk $0xffff, v6  }
0xe2: {  	v7 =	vor.u32 v3, v8;
	v6 =	vld [tilespmem:s18+$0xFFFFFFF0];
	_ =	sdelay $0x2  }
0xe3: {  	v9 =	vmov s17  }
0xe4: {  	v9 =	vadd.s32 $0x100, v9  }
0xe5: {  	v9 =	vand.u32 $0xFFFFFFFE, v9;
	[tilespmem:v7+s12+$0x0] =	vst.idx.add.f32.msk $0xffff, v6  }
.Ltmp5:
0xe6: {  	v8 =	vor.u32 v4, v8;
	v6 =	vbroadcast v9, $0x0;
	v7 =	vld [tilespmem:s18+$0x0];
	(pc) =	sbr.rel @p3 .LBB2_11-.Ltmp5, $1  }
0xe7: {  	_ =	sdelay $0x3  }
.LBB2_12:
0xe8: {  	_ =	sdelay $0x3  }
0xe9: {  	[tilespmem:v8+s12+$0x0] =	vst.idx.add.f32.msk @p2 $0xffff, v7  }
0xea: {  	v6 =	vld.idx.msk [tilespmem:v6+s9+$0x0], $0xffff;
	_ =	sdelay $0x3  }
0xeb: {  	s18 =	sadd.s32 @p2 $0x100, s18  }
0xec: {  	s16 =	smov.u32 @p2 s18;
	v6 =	vshll.u32 v6, $0x7  }
0xed: {  	v7 =	vld [tilespmem:s16+$0xFFFFFF50];
	v58 =	vor.u32 v1, v6;
	_ =	sdelay $0x4  }
0xee: {  	[tilespmem:v58+s12+$0x0] =	vst.idx.add.f32.msk $0xffff, v7  }
0xef: {  	v59 =	vor.u32 v2, v6;
	v7 =	vld [tilespmem:s16+$0xFFFFFF60];
	_ =	sdelay $0x4  }
0xf0: {  	[tilespmem:v59+s12+$0x0] =	vst.idx.add.f32.msk $0xffff, v7  }
0xf1: {  	v60 =	vor.u32 v3, v6;
	v7 =	vld [tilespmem:s16+$0xFFFFFF70];
	_ =	sdelay $0x2  }
0xf2: {  	s17 =	sadd.s32 $0x1, s17  }
0xf3: {  	v9 =	vmov s17  }
0xf4: {  	[tilespmem:v60+s12+$0x0] =	vst.idx.add.f32.msk $0xffff, v7;
	v7 =	vadd.s32 $0x100, v9  }
0xf5: {  	v6 =	vor.u32 v4, v6;
	v8 =	vld [tilespmem:s16+$0xFFFFFF80];
	v7 =	vbroadcast v7, $0x0;
	_ =	sdelay $0x4  }
0xf6: {  	[tilespmem:v6+s12+$0x0] =	vst.idx.add.f32.msk $0xffff, v8  }
0xf7: {  	v6 =	vld.idx.msk [tilespmem:v7+s9+$0x0], $0xffff;
	_ =	sdelay $0x4  }
0xf8: {  	v6 =	vshll.u32 v6, $0x7  }
0xf9: {  	v7 =	vld [tilespmem:s16+$0xFFFFFFD0];
	v61 =	vor.u32 v1, v6;
	_ =	sdelay $0x4  }
0xfa: {  	[tilespmem:v61+s12+$0x0] =	vst.idx.add.f32.msk $0xffff, v7  }
0xfb: {  	v62 =	vor.u32 v2, v6;
	v7 =	vld [tilespmem:s16+$0xFFFFFFE0];
	_ =	sdelay $0x4  }
0xfc: {  	[tilespmem:v62+s12+$0x0] =	vst.idx.add.f32.msk $0xffff, v7  }
0xfd: {  	v63 =	vor.u32 v3, v6;
	v7 =	vld [tilespmem:s16+$0xFFFFFFF0];
	_ =	sdelay $0x4  }
0xfe: {  	[tilespmem:v63+s12+$0x0] =	vst.idx.add.f32.msk $0xffff, v7  }
0xff: {  	v6 =	vor.u32 v4, v6;
	v7 =	vld [tilespmem:s16+$0x0]  }
.Ltmp6:
0x100: {  	_ = 	snop;
	(pc) =	sbr.rel @!p1 .LBB2_13-.Ltmp6, $4  }
0x101: {  	_ = 	snop  }
0x102: {  	v5 =	vadd.s32 $0x180, v5  }
0x103: {  	v5 =	vand.u32 $0xFFFFFFFE, v5  }
0x104: {  	v5 =	vbroadcast v5, $0x0;
	s16 =	simm.s32 $0xC0B0;
	[tilespmem:v6+s12+$0x0] =	vst.idx.add.f32.msk $0xffff, v7  }
0x105: {  	_ =	sdelay $0x4  }
0x106: {  	v5 =	vld.idx.msk [tilespmem:v5+s9+$0x0], $0xffff;
	_ =	sdelay $0x4  }
0x107: {  	v5 =	vshll.u32 v5, $0x7  }
0x108: {  	v6 =	vld [tilespmem:s16+$0xFFFFFF50];
	v7 =	vor.u32 v1, v5;
	_ =	sdelay $0x4  }
0x109: {  	[tilespmem:v7+s12+$0x0] =	vst.idx.add.f32.msk $0xffff, v6  }
0x10a: {  	v7 =	vor.u32 v2, v5;
	v6 =	vld [tilespmem:s16+$0xFFFFFF60];
	_ =	sdelay $0x4  }
0x10b: {  	[tilespmem:v7+s12+$0x0] =	vst.idx.add.f32.msk $0xffff, v6  }
0x10c: {  	v7 =	vor.u32 v3, v5;
	v6 =	vld [tilespmem:s16+$0xFFFFFF70];
	_ =	sdelay $0x2  }
0x10d: {  	s15 =	simm.s32 $0x1  }
0x10e: {  	v8 =	vmov s15  }
0x10f: {  	[tilespmem:v7+s12+$0x0] =	vst.idx.add.f32.msk $0xffff, v6;
	v6 =	vadd.s32 $0x180, v8  }
0x110: {  	v5 =	vor.u32 v4, v5;
	v7 =	vld [tilespmem:s16+$0xFFFFFF80];
	v6 =	vbroadcast v6, $0x0;
	_ =	sdelay $0x4  }
0x111: {  	[tilespmem:v5+s12+$0x0] =	vst.idx.add.f32.msk $0xffff, v7  }
0x112: {  	v5 =	vld.idx.msk [tilespmem:v6+s9+$0x0], $0xffff;
	_ =	sdelay $0x4  }
0x113: {  	v7 =	vshll.u32 v5, $0x7  }
0x114: {  	v5 =	vld [tilespmem:s16+$0xFFFFFFD0];
	v6 =	vor.u32 v1, v7;
	_ =	sdelay $0x4  }
0x115: {  	[tilespmem:v6+s12+$0x0] =	vst.idx.add.f32.msk $0xffff, v5  }
0x116: {  	v6 =	vor.u32 v2, v7;
	v5 =	vld [tilespmem:s16+$0xFFFFFFE0];
	_ =	sdelay $0x4  }
0x117: {  	[tilespmem:v6+s12+$0x0] =	vst.idx.add.f32.msk $0xffff, v5  }
0x118: {  	v6 =	vor.u32 v3, v7;
	v5 =	vld [tilespmem:s16+$0xFFFFFFF0]  }
0x119: {  	p1 =	por $0x1, $0x1  }
.Ltmp7:
0x11a: {  	_ = 	snop;
	(pc) =	sbr.rel @!p1 .LBB2_15-.Ltmp7, $4  }
0x11b: {  	v8 =	vmov s14  }
0x11c: {  	v8 =	vadd.s32 $0x180, v8  }
0x11d: {  	v8 =	vand.u32 $0xFFFFFFFE, v8;
	[tilespmem:v6+s12+$0x0] =	vst.idx.add.f32.msk $0xffff, v5  }
0x11e: {  	p0 =	por $0x1, $0x1;
	s17 =	simm.s32 $0xC0B0;
	s15 =	simm.s32 $0x4;
	v7 =	vor.u32 v4, v7;
	v5 =	vbroadcast v8, $0x0;
	v6 =	vld [tilespmem:s16+$0x0]  }
.LBB2_16:
0x11f: {  	_ =	sdelay $0x2  }
0x120: {  	p1 =	slt.u32 s15, $0x7E  }
0x121: {  	s17 =	sadd.s32 $0x100, s17;
	s18 =	smov.u32 s15;
	s15 =	sadd.s32 $0x2, s15;
	[tilespmem:v7+s12+$0x0] =	vst.idx.add.f32.msk $0xffff, v6  }
0x122: {  	v5 =	vld.idx.msk [tilespmem:v5+s9+$0x0], $0xffff;
	_ =	sdelay $0x5  }
0x123: {  	v5 =	vshll.u32 v5, $0x7  }
0x124: {  	v7 =	vor.u32 v1, v5;
	v6 =	vld [tilespmem:s17+$0xFFFFFF50];
	_ =	sdelay $0x4  }
0x125: {  	[tilespmem:v7+s12+$0x0] =	vst.idx.add.f32.msk $0xffff, v6  }
0x126: {  	v7 =	vor.u32 v2, v5;
	v6 =	vld [tilespmem:s17+$0xFFFFFF60];
	_ =	sdelay $0x4  }
0x127: {  	[tilespmem:v7+s12+$0x0] =	vst.idx.add.f32.msk $0xffff, v6  }
0x128: {  	v7 =	vor.u32 v3, v5;
	v6 =	vld [tilespmem:s17+$0xFFFFFF70];
	_ =	sdelay $0x2  }
0x129: {  	s19 =	sadd.s32 $0x1, s14;
	s14 =	smov.u32 s18  }
0x12a: {  	v8 =	vmov s19  }
0x12b: {  	[tilespmem:v7+s12+$0x0] =	vst.idx.add.f32.msk $0xffff, v6;
	v6 =	vadd.s32 $0x180, v8  }
0x12c: {  	v5 =	vor.u32 v4, v5;
	v7 =	vld [tilespmem:s17+$0xFFFFFF80];
	v6 =	vbroadcast v6, $0x0;
	_ =	sdelay $0x4  }
0x12d: {  	[tilespmem:v5+s12+$0x0] =	vst.idx.add.f32.msk $0xffff, v7  }
0x12e: {  	v5 =	vld.idx.msk [tilespmem:v6+s9+$0x0], $0xffff;
	_ =	sdelay $0x5  }
0x12f: {  	v7 =	vshll.u32 v5, $0x7  }
0x130: {  	v6 =	vor.u32 v1, v7;
	v5 =	vld [tilespmem:s17+$0xFFFFFFD0];
	_ =	sdelay $0x4  }
0x131: {  	[tilespmem:v6+s12+$0x0] =	vst.idx.add.f32.msk $0xffff, v5  }
0x132: {  	v6 =	vor.u32 v2, v7;
	v5 =	vld [tilespmem:s17+$0xFFFFFFE0];
	_ =	sdelay $0x4  }
0x133: {  	[tilespmem:v6+s12+$0x0] =	vst.idx.add.f32.msk $0xffff, v5  }
0x134: {  	v6 =	vor.u32 v3, v7;
	v5 =	vld [tilespmem:s17+$0xFFFFFFF0];
	_ =	sdelay $0x1  }
.Ltmp8:
0x135: {  	(pc) =	sbr.rel @p1 .LBB2_16-.Ltmp8, $4  }
0x136: {  	v8 =	vmov s14  }
0x137: {  	v8 =	vadd.s32 $0x180, v8  }
0x138: {  	v8 =	vand.u32 $0xFFFFFFFE, v8;
	[tilespmem:v6+s12+$0x0] =	vst.idx.add.f32.msk $0xffff, v5  }
0x139: {  	v7 =	vor.u32 v4, v7;
	v5 =	vbroadcast v8, $0x0;
	v6 =	vld [tilespmem:s17+$0x0]  }
0x13a: {  	s15 =	smov.u32 s14  }
.LBB2_18:
0x13b: {  	_ =	sdelay $0x3  }
0x13c: {  	[tilespmem:v7+s12+$0x0] =	vst.idx.add.f32.msk @p0 $0xffff, v6  }
0x13d: {  	v5 =	vld.idx.msk [tilespmem:v5+s9+$0x0], $0xffff;
	_ =	sdelay $0x3  }
0x13e: {  	s14 =	sadd.s32 @p0 $0x100, s17  }
0x13f: {  	s16 =	smov.u32 @p0 s14;
	v5 =	vshll.u32 v5, $0x7  }
0x140: {  	v6 =	vld [tilespmem:s16+$0xFFFFFF50];
	v7 =	vor.u32 v1, v5;
	_ =	sdelay $0x4  }
0x141: {  	[tilespmem:v7+s12+$0x0] =	vst.idx.add.f32.msk $0xffff, v6  }
0x142: {  	v7 =	vor.u32 v2, v5;
	v6 =	vld [tilespmem:s16+$0xFFFFFF60];
	_ =	sdelay $0x4  }
0x143: {  	[tilespmem:v7+s12+$0x0] =	vst.idx.add.f32.msk $0xffff, v6  }
0x144: {  	v7 =	vor.u32 v3, v5;
	v6 =	vld [tilespmem:s16+$0xFFFFFF70];
	_ =	sdelay $0x2  }
0x145: {  	s31 =	sadd.s32 $0x1, s15  }
0x146: {  	v8 =	vmov s31  }
0x147: {  	[tilespmem:v7+s12+$0x0] =	vst.idx.add.f32.msk $0xffff, v6;
	v6 =	vadd.s32 $0x180, v8  }
0x148: {  	v5 =	vor.u32 v4, v5;
	v7 =	vld [tilespmem:s16+$0xFFFFFF80];
	v6 =	vbroadcast v6, $0x0;
	_ =	sdelay $0x4  }
0x149: {  	[tilespmem:v5+s12+$0x0] =	vst.idx.add.f32.msk $0xffff, v7  }
0x14a: {  	v5 =	vld.idx.msk [tilespmem:v6+s9+$0x0], $0xffff;
	_ =	sdelay $0x4  }
0x14b: {  	v5 =	vshll.u32 v5, $0x7  }
0x14c: {  	v6 =	vld [tilespmem:s16+$0xFFFFFFD0];
	v7 =	vor.u32 v1, v5;
	_ =	sdelay $0x4  }
0x14d: {  	[tilespmem:v7+s12+$0x0] =	vst.idx.add.f32.msk $0xffff, v6  }
0x14e: {  	v7 =	vor.u32 v2, v5;
	v6 =	vld [tilespmem:s16+$0xFFFFFFE0];
	_ =	sdelay $0x4  }
0x14f: {  	[tilespmem:v7+s12+$0x0] =	vst.idx.add.f32.msk $0xffff, v6  }
0x150: {  	v7 =	vor.u32 v3, v5;
	v6 =	vld [tilespmem:s16+$0xFFFFFFF0];
	_ =	sdelay $0x4  }
0x151: {  	[tilespmem:v7+s12+$0x0] =	vst.idx.add.f32.msk $0xffff, v6  }
0x152: {  	v5 =	vor.u32 v4, v5;
	v6 =	vld [tilespmem:s16+$0x0];
	_ =	sdelay $0x3  }
0x153: {  	s13 =	sadd.s32 $0x1, s13  }
0x154: {  	p0 =	sne.s32 s13, s6;
	[tilespmem:v5+s12+$0x0] =	vst.idx.add.f32.msk $0xffff, v6  }
0x155: {  	[hbm4b:s5+s2] =	stream.linear.scatter [tilespmem:s12], [sflag:$0x2], $0x3800, $0x38;
	[tilespmem:$0x13A00] =	vst v63  }
.Ltmp9:
0x156: {  	_ = 	snop;
	(pc) =	sbr.rel @p0 .LBB2_1-.Ltmp9, $4  }
.Ltmp10:
0x157: {  	_ = 	snop;
	(pc) =	sbr.rel @!p0 .LBB2_19-.Ltmp10, $4  }
0x158: {  	_ =	swait.ge [sflag:s10], $0x3800  }
0x159: {  	[sflag:s10] =	ssyncset.done $0x0  }
0x15a: {  	[sflag:s10] =	ssyncadd.s32 $0xFFFFC800  }
0x15b: {  	_ = 	snop  }
.LBB2_8:
.Ltmp11:
0x15c: {  	(pc) =	sbr.rel .LBB2_12-.Ltmp11, $2  }
0x15d: {  	_ =	sdelay $0x2  }
0x15e: {  	s18 =	simm.s32 $0x80B0;
	s17 =	simm.s32 $0x0;
	p2 =	por $0x0, $0x0  }
.LBB2_13:
.Ltmp12:
0x15f: {  	(pc) =	sbr.rel .LBB2_18-.Ltmp12, $2  }
0x160: {  	_ =	sdelay $0x2  }
0x161: {  	s17 =	simm.s32 $0xC0B0  }
.LBB2_10:
.Ltmp13:
0x162: {  	(pc) =	sbr.rel .LBB2_12-.Ltmp13, $2  }
0x163: {  	_ =	sdelay $0x2  }
0x164: {  	s18 =	simm.s32 $0x80B0;
	s17 =	simm.s32 $0x2  }
.LBB2_15:
.Ltmp14:
0x165: {  	(pc) =	sbr.rel .LBB2_18-.Ltmp14, $2  }
0x166: {  	_ =	sdelay $0x2  }
0x167: {  	s17 =	simm.s32 $0xC0B0;
	s15 =	simm.s32 $0x2  }
.LBB2_19:
0x168: {  	_ =	sfence.sel $0x180000  }
0x169: {  	[bflag:$0x0] =	sbarrier.arrive $0xFFFF  }
0x16a: {  	p0 =	sne.s32 s1, $0x0;
	_ =	strace $0x90000047  }
0x16b: {  	s0 =	sadd.s32 @!p0 $0x100000, s0;
	[bflag:$0x2] =	sbarrier.arrive $0xFFFF  }
0x16c: {  	[sflag:s0] =	ssyncadd.tile.s32 @!p0 $0x1;
	_ =	shalt  }
.Lfunc_end2:
_tile_overlayer_lowered:
.L_overlay_start_2:
0x16d: {  	(tag) =	ssettag $0x2  }
0x16e: {  	s0 =	rddreg [dreg:$0x0];
	s2 =	stileid.u32  }
0x16f: {  	s1 =	rddreg [dreg:$0x1];
	p0 =	sne.s32 s2, $0x0  }
0x170: {  	s3 =	rddreg [dreg:$0x2];
	[bflag:$0x3] =	sbarrier.arrive $0xFFFF;
	s2 =	simm.s32 @!p0 $0x1C02  }
0x171: {  	[timem:s3], [sflag:s2] =	dma.local @!p0 [hbm:s0], s1  }
0x172: {  	s0 =	simm.s32 @!p0 $0x2  }
0x173: {  	_ =	swait.ge @!p0 [sflag:s0], s1  }
0x174: {  	s1 =	ssub.s32 @!p0 $0x0, s1;
	[sflag:s0] =	ssyncset.done @!p0 $0x0  }
0x175: {  	[sflag:s0] =	ssyncadd.s32 @!p0 s1  }
0x176: {  	[bflag:$0x3] =	sbarrier.arrive $0xFFFF  }
0x177: {  	_ =	shalt  }

</sc_bundles>
